<compile_context>
chip_gen: v7x
topology: tpu7x:2x2x1
jax: 0.10.2.dev20260603
libtpu: 0.0.44.dev20260713+nightly
codegen_flags: <defaults>
</compile_context>

<pallas_src>
import functools
import math

import jax
import jax.numpy as jnp
from jax import lax
from jax.experimental import pallas as pl
from jax.experimental.pallas import tpu as pltpu
from jax.experimental.pallas import tpu_sc as plsc

_NC = 2
_NS = 16
_NW = _NC * _NS
_L = 16

_LN2 = math.log(2.0)
_X_MAX = 100.0
_ALPHA = 0.75
_SQRT2 = math.sqrt(2.0)


def _ln(x):
    y = lax.bitcast_convert_type(x, jnp.int32)
    e = lax.shift_right_logical(y, 23) - 127
    m = lax.bitcast_convert_type(
        (y & jnp.int32(0x007FFFFF)) | jnp.int32(0x3F800000), jnp.float32)
    big = m > _SQRT2
    m = jnp.where(big, 0.5 * m, m)
    ef = e.astype(jnp.float32) + jnp.where(big, 1.0, 0.0)
    s = (m - 1.0) / (m + 1.0)
    t = s * s
    ln_m = 2.0 * s * (1.0 + t * (1.0 / 3.0 + t * (0.2 + t * (1.0 / 7.0 + t / 9.0))))
    return ef * _LN2 + ln_m


def _sc_glove(c_idx, p_idx, labels, c_embed, c_bias, p_embed, p_bias,
              out, cidx_v, pidx_v, lab_v, ce_v, pe_v, cb_v, pb_v, stage_v,
              tr_v, sem_ce, sem_pe, sem_cb, sem_pb):
    per = lab_v.shape[0]
    nch = cidx_v.shape[0]
    dim = ce_v.shape[1]
    wid = lax.axis_index("s") * _NC + lax.axis_index("c")

    pltpu.sync_copy(c_idx.at[wid], cidx_v)
    pltpu.sync_copy(p_idx.at[wid], pidx_v)
    pltpu.sync_copy(labels.at[wid], lab_v)

    handles = []
    for k in range(nch):
        rows = pl.ds(k * 128, 128)
        handles.append(pltpu.async_copy(c_embed.at[cidx_v.at[k]], ce_v.at[rows], sem_ce))
        handles.append(pltpu.async_copy(p_embed.at[pidx_v.at[k]], pe_v.at[rows], sem_pe))
        handles.append(pltpu.async_copy(c_bias.at[cidx_v.at[k]], cb_v.at[rows], sem_cb))
        handles.append(pltpu.async_copy(p_bias.at[pidx_v.at[k]], pb_v.at[rows], sem_pb))
    for h in handles:
        h.wait()

    lane = lax.iota(jnp.int32, _L)
    lane17 = lane * 17
    nd = dim // _L

    def body(g, acc):
        base = g * _L
        for j in range(_L):
            r = base + j
            prod = ce_v[r, pl.ds(0, _L)] * pe_v[r, pl.ds(0, _L)]
            for k in range(1, nd):
                prod = prod + ce_v[r, pl.ds(k * _L, _L)] * pe_v[r, pl.ds(k * _L, _L)]
            plsc.store_scatter(tr_v, [lane17 + j], prod)
        dots = tr_v[pl.ds(0, _L)]
        for i in range(1, _L):
            dots = dots + tr_v[pl.ds(i * 17, _L)]
        l = lab_v[pl.ds(base, _L)]
        cb = cb_v[pl.ds(base, _L)]
        pb = pb_v[pl.ds(base, _L)]
        lnl = _ln(l)
        w = jnp.minimum(jnp.exp(_ALPHA * (lnl - math.log(_X_MAX))), 1.0)
        diff = dots + cb + pb - lnl
        return acc + w * diff * diff

    acc = lax.fori_loop(0, per // _L, body, jnp.zeros((_L,), jnp.float32))
    stage_v[...] = acc
    pltpu.sync_copy(stage_v, out.at[wid])


def _tc_mean(p_ref, o_ref, *, inv_n):
    o_ref[...] = jnp.sum(p_ref[...], keepdims=True) * inv_n


def kernel(c_data, p_data, labels, c_embed, c_bias, p_embed, p_bias):
    batch = c_data.shape[0]
    vocab, dim = c_embed.shape
    per = batch // _NW
    nch = per // 128

    c3 = c_data.astype(jnp.int32).reshape(_NW, nch, 128)
    p3 = p_data.astype(jnp.int32).reshape(_NW, nch, 128)
    lab2 = labels.reshape(_NW, per)
    cb1 = c_bias.reshape(vocab)
    pb1 = p_bias.reshape(vocab)

    sc = functools.partial(
        pl.kernel,
        mesh=plsc.VectorSubcoreMesh(core_axis_name="c", subcore_axis_name="s"),
        out_type=jax.ShapeDtypeStruct((_NW, _L), jnp.float32),
        compiler_params=pltpu.CompilerParams(
            needs_layout_passes=False, use_tc_tiling_on_sc=False),
        scratch_types=[
            pltpu.VMEM((nch, 128), jnp.int32),
            pltpu.VMEM((nch, 128), jnp.int32),
            pltpu.VMEM((per,), jnp.float32),
            pltpu.VMEM((per, dim), jnp.float32),
            pltpu.VMEM((per, dim), jnp.float32),
            pltpu.VMEM((per,), jnp.float32),
            pltpu.VMEM((per,), jnp.float32),
            pltpu.VMEM((_L,), jnp.float32),
            pltpu.VMEM((_L * 17,), jnp.float32),
            pltpu.SemaphoreType.DMA,
            pltpu.SemaphoreType.DMA,
            pltpu.SemaphoreType.DMA,
            pltpu.SemaphoreType.DMA,
        ],
    )(_sc_glove)
    parts = sc(c3, p3, lab2, c_embed, cb1, p_embed, pb1)

    loss = pl.pallas_call(
        functools.partial(_tc_mean, inv_n=1.0 / batch),
        out_shape=jax.ShapeDtypeStruct((1, 1), jnp.float32),
    )(parts)
    return loss[0, 0]

# --- scband reference (transcript-rebuilt; emitter-appended) ---
"""Pipeline reference for scband-glove-7310034338571 (READ-ONLY COPY).

The authoritative reference and input builder live on the scoring server;
editing this copy changes nothing except your own understanding.
"""

import jax, jax.numpy as jnp
import numpy as np

VOCAB = 100000
DIM = 64
BATCH = 16384
X_MAX = 100.0
ALPHA = 0.75


def setup_inputs(seed: int = 0) -> dict:
    key = jax.random.key(seed)
    ks = jax.random.split(key, 7)
    c_data = jax.random.randint(ks[0], (BATCH,), 0, VOCAB)
    p_data = jax.random.randint(ks[1], (BATCH,), 0, VOCAB)
    # co-occurrence counts: strictly positive so log(labels) is finite
    labels = jax.random.uniform(ks[2], (BATCH,), dtype=jnp.float32) * 99.0 + 1.0
    c_embed = jax.random.normal(ks[3], (VOCAB, DIM), dtype=jnp.float32)
    c_bias = jax.random.normal(ks[4], (VOCAB, 1), dtype=jnp.float32)
    p_embed = jax.random.normal(ks[5], (VOCAB, DIM), dtype=jnp.float32)
    p_bias = jax.random.normal(ks[6], (VOCAB, 1), dtype=jnp.float32)
    return {
        "c_data": c_data,
        "p_data": p_data,
        "labels": labels,
        "c_embed": c_embed,
        "c_bias": c_bias,
        "p_embed": p_embed,
        "p_bias": p_bias,
    }


def reference(c_data, p_data, labels, c_embed, c_bias, p_embed, p_bias):
    # gather embeddings and biases by the original integer indices
    ce = jnp.take(c_embed, c_data, axis=0)          # [B, D]
    cb = jnp.take(c_bias, c_data, axis=0)[:, 0]     # [B]
    pe = jnp.take(p_embed, p_data, axis=0)          # [B, D]
    pb = jnp.take(p_bias, p_data, axis=0)[:, 0]     # [B]
    weight = jnp.power(labels / X_MAX, ALPHA)
    weight = jnp.minimum(weight, 1.0)               # weight[weight > 1] = 1
    dot = jnp.sum(ce * pe, axis=1)                  # [B]
    diff = dot + cb + pb - jnp.log(labels)
    loss = jnp.mean(weight * jnp.power(diff, 2.0))
    return loss

if __name__ == "__main__":
    import jax
    _d = setup_inputs()
    print(jax.jit(kernel)(*tuple(_d.values())))

</pallas_src>

<mosaic_0001>
#map = affine_map<(d0, d1) -> (0, 0, 0)>
#map1 = affine_map<(d0, d1) -> (0, 0)>
#map2 = affine_map<(d0, d1) -> (0)>
module attributes {stable_mosaic.version = 14 : i64} {
  func.func @_sc_glove(%arg0: i32, %arg1: i32, %arg2: memref<32x4x128xi32, #tpu.memory_space<hbm>>, %arg3: memref<32x4x128xi32, #tpu.memory_space<hbm>>, %arg4: memref<32x512xf32, #tpu.memory_space<hbm>>, %arg5: memref<100000x64xf32, #tpu.memory_space<hbm>>, %arg6: memref<100000xf32, #tpu.memory_space<hbm>>, %arg7: memref<100000x64xf32, #tpu.memory_space<hbm>>, %arg8: memref<100000xf32, #tpu.memory_space<hbm>>, %arg9: memref<32x16xf32, #tpu.memory_space<hbm>>, %arg10: memref<4x128xi32, #tpu.memory_space<vmem>>, %arg11: memref<4x128xi32, #tpu.memory_space<vmem>>, %arg12: memref<512xf32, #tpu.memory_space<vmem>>, %arg13: memref<512x64xf32, #tpu.memory_space<vmem>>, %arg14: memref<512x64xf32, #tpu.memory_space<vmem>>, %arg15: memref<512xf32, #tpu.memory_space<vmem>>, %arg16: memref<512xf32, #tpu.memory_space<vmem>>, %arg17: memref<16xf32, #tpu.memory_space<vmem>>, %arg18: memref<272xf32, #tpu.memory_space<vmem>>, %arg19: memref<!tpu.dma_semaphore, #tpu.memory_space<semaphore_mem>>, %arg20: memref<!tpu.dma_semaphore, #tpu.memory_space<semaphore_mem>>, %arg21: memref<!tpu.dma_semaphore, #tpu.memory_space<semaphore_mem>>, %arg22: memref<!tpu.dma_semaphore, #tpu.memory_space<semaphore_mem>>) attributes {dimension_semantics = [#tpu.dimension_semantics<core_parallel>, #tpu.dimension_semantics<subcore_parallel>], iteration_bounds = array<i64: 2, 16>, scalar_prefetch = 0 : i64, scratch_operands = 13 : i64, tpu.core_type = #tpu.core_type<sc_vector_subcore>, window_params = [{transform_indices = #map}, {transform_indices = #map}, {transform_indices = #map1}, {transform_indices = #map1}, {transform_indices = #map2}, {transform_indices = #map1}, {transform_indices = #map2}, {transform_indices = #map1}]} {
    %mul3A = arith.constant 2 : i32
    %mul3A_0 = arith.muli %arg1, %mul3A : i32
    %add3A = arith.addi %mul3A_0, %arg0 : i32
    "tpu.region"() ({
      %run_scoped3A = tpu.sem_alloc : memref<!tpu.dma_semaphore, #tpu.memory_space<semaphore_mem>>
      %dma_start3A_297 = arith.constant 0 : i32
      %dma_start3A_298 = arith.constant 0 : i32
      %dma_start3A_299 = tpu.memref_slice %arg2[%add3A, %dma_start3A_297, %dma_start3A_298] : memref<32x4x128xi32, #tpu.memory_space<hbm>> -> memref<1x4x128xi32, #tpu.memory_space<hbm>>
      %dma_start3A_300 = tpu.memref_squeeze %dma_start3A_299 : memref<1x4x128xi32, #tpu.memory_space<hbm>> -> memref<4x128xi32, #tpu.memory_space<hbm>>
      %dma_start3A_301 = arith.constant 0 : i32
      %dma_start3A_302 = arith.constant 0 : i32
      %dma_start3A_303 = tpu.memref_slice %arg2[%add3A, %dma_start3A_301, %dma_start3A_302] : memref<32x4x128xi32, #tpu.memory_space<hbm>> -> memref<1x4x128xi32, #tpu.memory_space<hbm>>
      %dma_start3A_304 = tpu.memref_squeeze %dma_start3A_303 : memref<1x4x128xi32, #tpu.memory_space<hbm>> -> memref<4x128xi32, #tpu.memory_space<hbm>>
      tpu.enqueue_dma source(%dma_start3A_304 : memref<4x128xi32, #tpu.memory_space<hbm>>) target(%arg10 : memref<4x128xi32, #tpu.memory_space<vmem>>) target_semaphore(%run_scoped3A : memref<!tpu.dma_semaphore, #tpu.memory_space<semaphore_mem>>)
      %dma_wait3A_305 = arith.constant 0 : i32
      %dma_wait3A_306 = arith.constant 0 : i32
      %dma_wait3A_307 = tpu.memref_slice %arg2[%add3A, %dma_wait3A_305, %dma_wait3A_306] : memref<32x4x128xi32, #tpu.memory_space<hbm>> -> memref<1x4x128xi32, #tpu.memory_space<hbm>>
      %dma_wait3A_308 = tpu.memref_squeeze %dma_wait3A_307 : memref<1x4x128xi32, #tpu.memory_space<hbm>> -> memref<4x128xi32, #tpu.memory_space<hbm>>
      %dma_wait3A_309 = arith.constant 0 : i32
      %dma_wait3A_310 = arith.constant 0 : i32
      %dma_wait3A_311 = tpu.memref_slice %arg2[%add3A, %dma_wait3A_309, %dma_wait3A_310] : memref<32x4x128xi32, #tpu.memory_space<hbm>> -> memref<1x4x128xi32, #tpu.memory_space<hbm>>
      %dma_wait3A_312 = tpu.memref_squeeze %dma_wait3A_311 : memref<1x4x128xi32, #tpu.memory_space<hbm>> -> memref<4x128xi32, #tpu.memory_space<hbm>>
      tpu.wait_dma2 semaphore(%run_scoped3A : memref<!tpu.dma_semaphore, #tpu.memory_space<semaphore_mem>>) src(%dma_wait3A_312 : memref<4x128xi32, #tpu.memory_space<hbm>>) dst(%arg10 : memref<4x128xi32, #tpu.memory_space<vmem>>)
      tpu.yield
    }) : () -> ()
    "tpu.region"() ({
      %run_scoped3A = tpu.sem_alloc : memref<!tpu.dma_semaphore, #tpu.memory_space<semaphore_mem>>
      %dma_start3A_297 = arith.constant 0 : i32
      %dma_start3A_298 = arith.constant 0 : i32
      %dma_start3A_299 = tpu.memref_slice %arg3[%add3A, %dma_start3A_297, %dma_start3A_298] : memref<32x4x128xi32, #tpu.memory_space<hbm>> -> memref<1x4x128xi32, #tpu.memory_space<hbm>>
      %dma_start3A_300 = tpu.memref_squeeze %dma_start3A_299 : memref<1x4x128xi32, #tpu.memory_space<hbm>> -> memref<4x128xi32, #tpu.memory_space<hbm>>
      %dma_start3A_301 = arith.constant 0 : i32
      %dma_start3A_302 = arith.constant 0 : i32
      %dma_start3A_303 = tpu.memref_slice %arg3[%add3A, %dma_start3A_301, %dma_start3A_302] : memref<32x4x128xi32, #tpu.memory_space<hbm>> -> memref<1x4x128xi32, #tpu.memory_space<hbm>>
      %dma_start3A_304 = tpu.memref_squeeze %dma_start3A_303 : memref<1x4x128xi32, #tpu.memory_space<hbm>> -> memref<4x128xi32, #tpu.memory_space<hbm>>
      tpu.enqueue_dma source(%dma_start3A_304 : memref<4x128xi32, #tpu.memory_space<hbm>>) target(%arg11 : memref<4x128xi32, #tpu.memory_space<vmem>>) target_semaphore(%run_scoped3A : memref<!tpu.dma_semaphore, #tpu.memory_space<semaphore_mem>>)
      %dma_wait3A_305 = arith.constant 0 : i32
      %dma_wait3A_306 = arith.constant 0 : i32
      %dma_wait3A_307 = tpu.memref_slice %arg3[%add3A, %dma_wait3A_305, %dma_wait3A_306] : memref<32x4x128xi32, #tpu.memory_space<hbm>> -> memref<1x4x128xi32, #tpu.memory_space<hbm>>
      %dma_wait3A_308 = tpu.memref_squeeze %dma_wait3A_307 : memref<1x4x128xi32, #tpu.memory_space<hbm>> -> memref<4x128xi32, #tpu.memory_space<hbm>>
      %dma_wait3A_309 = arith.constant 0 : i32
      %dma_wait3A_310 = arith.constant 0 : i32
      %dma_wait3A_311 = tpu.memref_slice %arg3[%add3A, %dma_wait3A_309, %dma_wait3A_310] : memref<32x4x128xi32, #tpu.memory_space<hbm>> -> memref<1x4x128xi32, #tpu.memory_space<hbm>>
      %dma_wait3A_312 = tpu.memref_squeeze %dma_wait3A_311 : memref<1x4x128xi32, #tpu.memory_space<hbm>> -> memref<4x128xi32, #tpu.memory_space<hbm>>
      tpu.wait_dma2 semaphore(%run_scoped3A : memref<!tpu.dma_semaphore, #tpu.memory_space<semaphore_mem>>) src(%dma_wait3A_312 : memref<4x128xi32, #tpu.memory_space<hbm>>) dst(%arg11 : memref<4x128xi32, #tpu.memory_space<vmem>>)
      tpu.yield
    }) : () -> ()
    "tpu.region"() ({
      %run_scoped3A = tpu.sem_alloc : memref<!tpu.dma_semaphore, #tpu.memory_space<semaphore_mem>>
      %dma_start3A_297 = arith.constant 0 : i32
      %dma_start3A_298 = tpu.memref_slice %arg4[%add3A, %dma_start3A_297] : memref<32x512xf32, #tpu.memory_space<hbm>> -> memref<1x512xf32, #tpu.memory_space<hbm>>
      %dma_start3A_299 = tpu.memref_squeeze %dma_start3A_298 : memref<1x512xf32, #tpu.memory_space<hbm>> -> memref<512xf32, #tpu.memory_space<hbm>>
      %dma_start3A_300 = arith.constant 0 : i32
      %dma_start3A_301 = tpu.memref_slice %arg4[%add3A, %dma_start3A_300] : memref<32x512xf32, #tpu.memory_space<hbm>> -> memref<1x512xf32, #tpu.memory_space<hbm>>
      %dma_start3A_302 = tpu.memref_squeeze %dma_start3A_301 : memref<1x512xf32, #tpu.memory_space<hbm>> -> memref<512xf32, #tpu.memory_space<hbm>>
      tpu.enqueue_dma source(%dma_start3A_302 : memref<512xf32, #tpu.memory_space<hbm>>) target(%arg12 : memref<512xf32, #tpu.memory_space<vmem>>) target_semaphore(%run_scoped3A : memref<!tpu.dma_semaphore, #tpu.memory_space<semaphore_mem>>)
      %dma_wait3A_303 = arith.constant 0 : i32
      %dma_wait3A_304 = tpu.memref_slice %arg4[%add3A, %dma_wait3A_303] : memref<32x512xf32, #tpu.memory_space<hbm>> -> memref<1x512xf32, #tpu.memory_space<hbm>>
      %dma_wait3A_305 = tpu.memref_squeeze %dma_wait3A_304 : memref<1x512xf32, #tpu.memory_space<hbm>> -> memref<512xf32, #tpu.memory_space<hbm>>
      %dma_wait3A_306 = arith.constant 0 : i32
      %dma_wait3A_307 = tpu.memref_slice %arg4[%add3A, %dma_wait3A_306] : memref<32x512xf32, #tpu.memory_space<hbm>> -> memref<1x512xf32, #tpu.memory_space<hbm>>
      %dma_wait3A_308 = tpu.memref_squeeze %dma_wait3A_307 : memref<1x512xf32, #tpu.memory_space<hbm>> -> memref<512xf32, #tpu.memory_space<hbm>>
      tpu.wait_dma2 semaphore(%run_scoped3A : memref<!tpu.dma_semaphore, #tpu.memory_space<semaphore_mem>>) src(%dma_wait3A_308 : memref<512xf32, #tpu.memory_space<hbm>>) dst(%arg12 : memref<512xf32, #tpu.memory_space<vmem>>)
      tpu.yield
    }) : () -> ()
    %dma_start3A = arith.constant 0 : i32
    %dma_start3A_1 = arith.constant 0 : i32
    %dma_start3A_2 = arith.constant 0 : i32
    %dma_start3A_3 = tpu.memref_slice %arg13[%dma_start3A_1, %dma_start3A_2] : memref<512x64xf32, #tpu.memory_space<vmem>> -> memref<128x64xf32, #tpu.memory_space<vmem>>
    %dma_start3A_4 = arith.constant 0 : i32
    %dma_start3A_5 = tpu.memref_slice %arg10[%dma_start3A, %dma_start3A_4] : memref<4x128xi32, #tpu.memory_space<vmem>> -> memref<1x128xi32, #tpu.memory_space<vmem>>
    %dma_start3A_6 = tpu.memref_squeeze %dma_start3A_5 : memref<1x128xi32, #tpu.memory_space<vmem>> -> memref<128xi32, #tpu.memory_space<vmem>>
    %dma_start3A_7 = arith.constant 0 : i32
    %dma_start3A_8 = arith.constant 0 : i32
    %dma_start3A_9 = tpu.memref_slice %arg5[%dma_start3A_7, %dma_start3A_8] : memref<100000x64xf32, #tpu.memory_space<hbm>> -> memref<100000x64xf32, #tpu.memory_space<hbm>>
    tpu.enqueue_indirect_dma source(%dma_start3A_9 : memref<100000x64xf32, #tpu.memory_space<hbm>>) target(%dma_start3A_3 : memref<128x64xf32, #tpu.memory_space<vmem>>) offsets(%dma_start3A_6 : memref<128xi32, #tpu.memory_space<vmem>>) semaphore(%arg19 : memref<!tpu.dma_semaphore, #tpu.memory_space<semaphore_mem>>)
    %dma_start3A_10 = arith.constant 0 : i32
    %dma_start3A_11 = arith.constant 0 : i32
    %dma_start3A_12 = arith.constant 0 : i32
    %dma_start3A_13 = tpu.memref_slice %arg14[%dma_start3A_11, %dma_start3A_12] : memref<512x64xf32, #tpu.memory_space<vmem>> -> memref<128x64xf32, #tpu.memory_space<vmem>>
    %dma_start3A_14 = arith.constant 0 : i32
    %dma_start3A_15 = tpu.memref_slice %arg11[%dma_start3A_10, %dma_start3A_14] : memref<4x128xi32, #tpu.memory_space<vmem>> -> memref<1x128xi32, #tpu.memory_space<vmem>>
    %dma_start3A_16 = tpu.memref_squeeze %dma_start3A_15 : memref<1x128xi32, #tpu.memory_space<vmem>> -> memref<128xi32, #tpu.memory_space<vmem>>
    %dma_start3A_17 = arith.constant 0 : i32
    %dma_start3A_18 = arith.constant 0 : i32
    %dma_start3A_19 = tpu.memref_slice %arg7[%dma_start3A_17, %dma_start3A_18] : memref<100000x64xf32, #tpu.memory_space<hbm>> -> memref<100000x64xf32, #tpu.memory_space<hbm>>
    tpu.enqueue_indirect_dma source(%dma_start3A_19 : memref<100000x64xf32, #tpu.memory_space<hbm>>) target(%dma_start3A_13 : memref<128x64xf32, #tpu.memory_space<vmem>>) offsets(%dma_start3A_16 : memref<128xi32, #tpu.memory_space<vmem>>) semaphore(%arg20 : memref<!tpu.dma_semaphore, #tpu.memory_space<semaphore_mem>>)
    %dma_start3A_20 = arith.constant 0 : i32
    %dma_start3A_21 = arith.constant 0 : i32
    %dma_start3A_22 = tpu.memref_slice %arg15[%dma_start3A_21] : memref<512xf32, #tpu.memory_space<vmem>> -> memref<128xf32, #tpu.memory_space<vmem>>
    %dma_start3A_23 = arith.constant 0 : i32
    %dma_start3A_24 = tpu.memref_slice %arg10[%dma_start3A_20, %dma_start3A_23] : memref<4x128xi32, #tpu.memory_space<vmem>> -> memref<1x128xi32, #tpu.memory_space<vmem>>
    %dma_start3A_25 = tpu.memref_squeeze %dma_start3A_24 : memref<1x128xi32, #tpu.memory_space<vmem>> -> memref<128xi32, #tpu.memory_space<vmem>>
    %dma_start3A_26 = arith.constant 0 : i32
    %dma_start3A_27 = tpu.memref_slice %arg6[%dma_start3A_26] : memref<100000xf32, #tpu.memory_space<hbm>> -> memref<100000xf32, #tpu.memory_space<hbm>>
    tpu.enqueue_indirect_dma source(%dma_start3A_27 : memref<100000xf32, #tpu.memory_space<hbm>>) target(%dma_start3A_22 : memref<128xf32, #tpu.memory_space<vmem>>) offsets(%dma_start3A_25 : memref<128xi32, #tpu.memory_space<vmem>>) semaphore(%arg21 : memref<!tpu.dma_semaphore, #tpu.memory_space<semaphore_mem>>)
    %dma_start3A_28 = arith.constant 0 : i32
    %dma_start3A_29 = arith.constant 0 : i32
    %dma_start3A_30 = tpu.memref_slice %arg16[%dma_start3A_29] : memref<512xf32, #tpu.memory_space<vmem>> -> memref<128xf32, #tpu.memory_space<vmem>>
    %dma_start3A_31 = arith.constant 0 : i32
    %dma_start3A_32 = tpu.memref_slice %arg11[%dma_start3A_28, %dma_start3A_31] : memref<4x128xi32, #tpu.memory_space<vmem>> -> memref<1x128xi32, #tpu.memory_space<vmem>>
    %dma_start3A_33 = tpu.memref_squeeze %dma_start3A_32 : memref<1x128xi32, #tpu.memory_space<vmem>> -> memref<128xi32, #tpu.memory_space<vmem>>
    %dma_start3A_34 = arith.constant 0 : i32
    %dma_start3A_35 = tpu.memref_slice %arg8[%dma_start3A_34] : memref<100000xf32, #tpu.memory_space<hbm>> -> memref<100000xf32, #tpu.memory_space<hbm>>
    tpu.enqueue_indirect_dma source(%dma_start3A_35 : memref<100000xf32, #tpu.memory_space<hbm>>) target(%dma_start3A_30 : memref<128xf32, #tpu.memory_space<vmem>>) offsets(%dma_start3A_33 : memref<128xi32, #tpu.memory_space<vmem>>) semaphore(%arg22 : memref<!tpu.dma_semaphore, #tpu.memory_space<semaphore_mem>>)
    %dma_start3A_36 = arith.constant 1 : i32
    %dma_start3A_37 = arith.constant 128 : i32
    %dma_start3A_38 = arith.constant 0 : i32
    %dma_start3A_39 = tpu.memref_slice %arg13[%dma_start3A_37, %dma_start3A_38] : memref<512x64xf32, #tpu.memory_space<vmem>> -> memref<128x64xf32, #tpu.memory_space<vmem>>
    %dma_start3A_40 = arith.constant 0 : i32
    %dma_start3A_41 = tpu.memref_slice %arg10[%dma_start3A_36, %dma_start3A_40] : memref<4x128xi32, #tpu.memory_space<vmem>> -> memref<1x128xi32, #tpu.memory_space<vmem>>
    %dma_start3A_42 = tpu.memref_squeeze %dma_start3A_41 : memref<1x128xi32, #tpu.memory_space<vmem>> -> memref<128xi32, #tpu.memory_space<vmem>>
    %dma_start3A_43 = arith.constant 0 : i32
    %dma_start3A_44 = arith.constant 0 : i32
    %dma_start3A_45 = tpu.memref_slice %arg5[%dma_start3A_43, %dma_start3A_44] : memref<100000x64xf32, #tpu.memory_space<hbm>> -> memref<100000x64xf32, #tpu.memory_space<hbm>>
    tpu.enqueue_indirect_dma source(%dma_start3A_45 : memref<100000x64xf32, #tpu.memory_space<hbm>>) target(%dma_start3A_39 : memref<128x64xf32, #tpu.memory_space<vmem>>) offsets(%dma_start3A_42 : memref<128xi32, #tpu.memory_space<vmem>>) semaphore(%arg19 : memref<!tpu.dma_semaphore, #tpu.memory_space<semaphore_mem>>)
    %dma_start3A_46 = arith.constant 1 : i32
    %dma_start3A_47 = arith.constant 128 : i32
    %dma_start3A_48 = arith.constant 0 : i32
    %dma_start3A_49 = tpu.memref_slice %arg14[%dma_start3A_47, %dma_start3A_48] : memref<512x64xf32, #tpu.memory_space<vmem>> -> memref<128x64xf32, #tpu.memory_space<vmem>>
    %dma_start3A_50 = arith.constant 0 : i32
    %dma_start3A_51 = tpu.memref_slice %arg11[%dma_start3A_46, %dma_start3A_50] : memref<4x128xi32, #tpu.memory_space<vmem>> -> memref<1x128xi32, #tpu.memory_space<vmem>>
    %dma_start3A_52 = tpu.memref_squeeze %dma_start3A_51 : memref<1x128xi32, #tpu.memory_space<vmem>> -> memref<128xi32, #tpu.memory_space<vmem>>
    %dma_start3A_53 = arith.constant 0 : i32
    %dma_start3A_54 = arith.constant 0 : i32
    %dma_start3A_55 = tpu.memref_slice %arg7[%dma_start3A_53, %dma_start3A_54] : memref<100000x64xf32, #tpu.memory_space<hbm>> -> memref<100000x64xf32, #tpu.memory_space<hbm>>
    tpu.enqueue_indirect_dma source(%dma_start3A_55 : memref<100000x64xf32, #tpu.memory_space<hbm>>) target(%dma_start3A_49 : memref<128x64xf32, #tpu.memory_space<vmem>>) offsets(%dma_start3A_52 : memref<128xi32, #tpu.memory_space<vmem>>) semaphore(%arg20 : memref<!tpu.dma_semaphore, #tpu.memory_space<semaphore_mem>>)
    %dma_start3A_56 = arith.constant 1 : i32
    %dma_start3A_57 = arith.constant 128 : i32
    %dma_start3A_58 = tpu.memref_slice %arg15[%dma_start3A_57] : memref<512xf32, #tpu.memory_space<vmem>> -> memref<128xf32, #tpu.memory_space<vmem>>
    %dma_start3A_59 = arith.constant 0 : i32
    %dma_start3A_60 = tpu.memref_slice %arg10[%dma_start3A_56, %dma_start3A_59] : memref<4x128xi32, #tpu.memory_space<vmem>> -> memref<1x128xi32, #tpu.memory_space<vmem>>
    %dma_start3A_61 = tpu.memref_squeeze %dma_start3A_60 : memref<1x128xi32, #tpu.memory_space<vmem>> -> memref<128xi32, #tpu.memory_space<vmem>>
    %dma_start3A_62 = arith.constant 0 : i32
    %dma_start3A_63 = tpu.memref_slice %arg6[%dma_start3A_62] : memref<100000xf32, #tpu.memory_space<hbm>> -> memref<100000xf32, #tpu.memory_space<hbm>>
    tpu.enqueue_indirect_dma source(%dma_start3A_63 : memref<100000xf32, #tpu.memory_space<hbm>>) target(%dma_start3A_58 : memref<128xf32, #tpu.memory_space<vmem>>) offsets(%dma_start3A_61 : memref<128xi32, #tpu.memory_space<vmem>>) semaphore(%arg21 : memref<!tpu.dma_semaphore, #tpu.memory_space<semaphore_mem>>)
    %dma_start3A_64 = arith.constant 1 : i32
    %dma_start3A_65 = arith.constant 128 : i32
    %dma_start3A_66 = tpu.memref_slice %arg16[%dma_start3A_65] : memref<512xf32, #tpu.memory_space<vmem>> -> memref<128xf32, #tpu.memory_space<vmem>>
    %dma_start3A_67 = arith.constant 0 : i32
    %dma_start3A_68 = tpu.memref_slice %arg11[%dma_start3A_64, %dma_start3A_67] : memref<4x128xi32, #tpu.memory_space<vmem>> -> memref<1x128xi32, #tpu.memory_space<vmem>>
    %dma_start3A_69 = tpu.memref_squeeze %dma_start3A_68 : memref<1x128xi32, #tpu.memory_space<vmem>> -> memref<128xi32, #tpu.memory_space<vmem>>
    %dma_start3A_70 = arith.constant 0 : i32
    %dma_start3A_71 = tpu.memref_slice %arg8[%dma_start3A_70] : memref<100000xf32, #tpu.memory_space<hbm>> -> memref<100000xf32, #tpu.memory_space<hbm>>
    tpu.enqueue_indirect_dma source(%dma_start3A_71 : memref<100000xf32, #tpu.memory_space<hbm>>) target(%dma_start3A_66 : memref<128xf32, #tpu.memory_space<vmem>>) offsets(%dma_start3A_69 : memref<128xi32, #tpu.memory_space<vmem>>) semaphore(%arg22 : memref<!tpu.dma_semaphore, #tpu.memory_space<semaphore_mem>>)
    %dma_start3A_72 = arith.constant 2 : i32
    %dma_start3A_73 = arith.constant 256 : i32
    %dma_start3A_74 = arith.constant 0 : i32
    %dma_start3A_75 = tpu.memref_slice %arg13[%dma_start3A_73, %dma_start3A_74] : memref<512x64xf32, #tpu.memory_space<vmem>> -> memref<128x64xf32, #tpu.memory_space<vmem>>
    %dma_start3A_76 = arith.constant 0 : i32
    %dma_start3A_77 = tpu.memref_slice %arg10[%dma_start3A_72, %dma_start3A_76] : memref<4x128xi32, #tpu.memory_space<vmem>> -> memref<1x128xi32, #tpu.memory_space<vmem>>
    %dma_start3A_78 = tpu.memref_squeeze %dma_start3A_77 : memref<1x128xi32, #tpu.memory_space<vmem>> -> memref<128xi32, #tpu.memory_space<vmem>>
    %dma_start3A_79 = arith.constant 0 : i32
    %dma_start3A_80 = arith.constant 0 : i32
    %dma_start3A_81 = tpu.memref_slice %arg5[%dma_start3A_79, %dma_start3A_80] : memref<100000x64xf32, #tpu.memory_space<hbm>> -> memref<100000x64xf32, #tpu.memory_space<hbm>>
    tpu.enqueue_indirect_dma source(%dma_start3A_81 : memref<100000x64xf32, #tpu.memory_space<hbm>>) target(%dma_start3A_75 : memref<128x64xf32, #tpu.memory_space<vmem>>) offsets(%dma_start3A_78 : memref<128xi32, #tpu.memory_space<vmem>>) semaphore(%arg19 : memref<!tpu.dma_semaphore, #tpu.memory_space<semaphore_mem>>)
    %dma_start3A_82 = arith.constant 2 : i32
    %dma_start3A_83 = arith.constant 256 : i32
    %dma_start3A_84 = arith.constant 0 : i32
    %dma_start3A_85 = tpu.memref_slice %arg14[%dma_start3A_83, %dma_start3A_84] : memref<512x64xf32, #tpu.memory_space<vmem>> -> memref<128x64xf32, #tpu.memory_space<vmem>>
    %dma_start3A_86 = arith.constant 0 : i32
    %dma_start3A_87 = tpu.memref_slice %arg11[%dma_start3A_82, %dma_start3A_86] : memref<4x128xi32, #tpu.memory_space<vmem>> -> memref<1x128xi32, #tpu.memory_space<vmem>>
    %dma_start3A_88 = tpu.memref_squeeze %dma_start3A_87 : memref<1x128xi32, #tpu.memory_space<vmem>> -> memref<128xi32, #tpu.memory_space<vmem>>
    %dma_start3A_89 = arith.constant 0 : i32
    %dma_start3A_90 = arith.constant 0 : i32
    %dma_start3A_91 = tpu.memref_slice %arg7[%dma_start3A_89, %dma_start3A_90] : memref<100000x64xf32, #tpu.memory_space<hbm>> -> memref<100000x64xf32, #tpu.memory_space<hbm>>
    tpu.enqueue_indirect_dma source(%dma_start3A_91 : memref<100000x64xf32, #tpu.memory_space<hbm>>) target(%dma_start3A_85 : memref<128x64xf32, #tpu.memory_space<vmem>>) offsets(%dma_start3A_88 : memref<128xi32, #tpu.memory_space<vmem>>) semaphore(%arg20 : memref<!tpu.dma_semaphore, #tpu.memory_space<semaphore_mem>>)
    %dma_start3A_92 = arith.constant 2 : i32
    %dma_start3A_93 = arith.constant 256 : i32
    %dma_start3A_94 = tpu.memref_slice %arg15[%dma_start3A_93] : memref<512xf32, #tpu.memory_space<vmem>> -> memref<128xf32, #tpu.memory_space<vmem>>
    %dma_start3A_95 = arith.constant 0 : i32
    %dma_start3A_96 = tpu.memref_slice %arg10[%dma_start3A_92, %dma_start3A_95] : memref<4x128xi32, #tpu.memory_space<vmem>> -> memref<1x128xi32, #tpu.memory_space<vmem>>
    %dma_start3A_97 = tpu.memref_squeeze %dma_start3A_96 : memref<1x128xi32, #tpu.memory_space<vmem>> -> memref<128xi32, #tpu.memory_space<vmem>>
    %dma_start3A_98 = arith.constant 0 : i32
    %dma_start3A_99 = tpu.memref_slice %arg6[%dma_start3A_98] : memref<100000xf32, #tpu.memory_space<hbm>> -> memref<100000xf32, #tpu.memory_space<hbm>>
    tpu.enqueue_indirect_dma source(%dma_start3A_99 : memref<100000xf32, #tpu.memory_space<hbm>>) target(%dma_start3A_94 : memref<128xf32, #tpu.memory_space<vmem>>) offsets(%dma_start3A_97 : memref<128xi32, #tpu.memory_space<vmem>>) semaphore(%arg21 : memref<!tpu.dma_semaphore, #tpu.memory_space<semaphore_mem>>)
    %dma_start3A_100 = arith.constant 2 : i32
    %dma_start3A_101 = arith.constant 256 : i32
    %dma_start3A_102 = tpu.memref_slice %arg16[%dma_start3A_101] : memref<512xf32, #tpu.memory_space<vmem>> -> memref<128xf32, #tpu.memory_space<vmem>>
    %dma_start3A_103 = arith.constant 0 : i32
    %dma_start3A_104 = tpu.memref_slice %arg11[%dma_start3A_100, %dma_start3A_103] : memref<4x128xi32, #tpu.memory_space<vmem>> -> memref<1x128xi32, #tpu.memory_space<vmem>>
    %dma_start3A_105 = tpu.memref_squeeze %dma_start3A_104 : memref<1x128xi32, #tpu.memory_space<vmem>> -> memref<128xi32, #tpu.memory_space<vmem>>
    %dma_start3A_106 = arith.constant 0 : i32
    %dma_start3A_107 = tpu.memref_slice %arg8[%dma_start3A_106] : memref<100000xf32, #tpu.memory_space<hbm>> -> memref<100000xf32, #tpu.memory_space<hbm>>
    tpu.enqueue_indirect_dma source(%dma_start3A_107 : memref<100000xf32, #tpu.memory_space<hbm>>) target(%dma_start3A_102 : memref<128xf32, #tpu.memory_space<vmem>>) offsets(%dma_start3A_105 : memref<128xi32, #tpu.memory_space<vmem>>) semaphore(%arg22 : memref<!tpu.dma_semaphore, #tpu.memory_space<semaphore_mem>>)
    %dma_start3A_108 = arith.constant 3 : i32
    %dma_start3A_109 = arith.constant 384 : i32
    %dma_start3A_110 = arith.constant 0 : i32
    %dma_start3A_111 = tpu.memref_slice %arg13[%dma_start3A_109, %dma_start3A_110] : memref<512x64xf32, #tpu.memory_space<vmem>> -> memref<128x64xf32, #tpu.memory_space<vmem>>
    %dma_start3A_112 = arith.constant 0 : i32
    %dma_start3A_113 = tpu.memref_slice %arg10[%dma_start3A_108, %dma_start3A_112] : memref<4x128xi32, #tpu.memory_space<vmem>> -> memref<1x128xi32, #tpu.memory_space<vmem>>
    %dma_start3A_114 = tpu.memref_squeeze %dma_start3A_113 : memref<1x128xi32, #tpu.memory_space<vmem>> -> memref<128xi32, #tpu.memory_space<vmem>>
    %dma_start3A_115 = arith.constant 0 : i32
    %dma_start3A_116 = arith.constant 0 : i32
    %dma_start3A_117 = tpu.memref_slice %arg5[%dma_start3A_115, %dma_start3A_116] : memref<100000x64xf32, #tpu.memory_space<hbm>> -> memref<100000x64xf32, #tpu.memory_space<hbm>>
    tpu.enqueue_indirect_dma source(%dma_start3A_117 : memref<100000x64xf32, #tpu.memory_space<hbm>>) target(%dma_start3A_111 : memref<128x64xf32, #tpu.memory_space<vmem>>) offsets(%dma_start3A_114 : memref<128xi32, #tpu.memory_space<vmem>>) semaphore(%arg19 : memref<!tpu.dma_semaphore, #tpu.memory_space<semaphore_mem>>)
    %dma_start3A_118 = arith.constant 3 : i32
    %dma_start3A_119 = arith.constant 384 : i32
    %dma_start3A_120 = arith.constant 0 : i32
    %dma_start3A_121 = tpu.memref_slice %arg14[%dma_start3A_119, %dma_start3A_120] : memref<512x64xf32, #tpu.memory_space<vmem>> -> memref<128x64xf32, #tpu.memory_space<vmem>>
    %dma_start3A_122 = arith.constant 0 : i32
    %dma_start3A_123 = tpu.memref_slice %arg11[%dma_start3A_118, %dma_start3A_122] : memref<4x128xi32, #tpu.memory_space<vmem>> -> memref<1x128xi32, #tpu.memory_space<vmem>>
    %dma_start3A_124 = tpu.memref_squeeze %dma_start3A_123 : memref<1x128xi32, #tpu.memory_space<vmem>> -> memref<128xi32, #tpu.memory_space<vmem>>
    %dma_start3A_125 = arith.constant 0 : i32
    %dma_start3A_126 = arith.constant 0 : i32
    %dma_start3A_127 = tpu.memref_slice %arg7[%dma_start3A_125, %dma_start3A_126] : memref<100000x64xf32, #tpu.memory_space<hbm>> -> memref<100000x64xf32, #tpu.memory_space<hbm>>
    tpu.enqueue_indirect_dma source(%dma_start3A_127 : memref<100000x64xf32, #tpu.memory_space<hbm>>) target(%dma_start3A_121 : memref<128x64xf32, #tpu.memory_space<vmem>>) offsets(%dma_start3A_124 : memref<128xi32, #tpu.memory_space<vmem>>) semaphore(%arg20 : memref<!tpu.dma_semaphore, #tpu.memory_space<semaphore_mem>>)
    %dma_start3A_128 = arith.constant 3 : i32
    %dma_start3A_129 = arith.constant 384 : i32
    %dma_start3A_130 = tpu.memref_slice %arg15[%dma_start3A_129] : memref<512xf32, #tpu.memory_space<vmem>> -> memref<128xf32, #tpu.memory_space<vmem>>
    %dma_start3A_131 = arith.constant 0 : i32
    %dma_start3A_132 = tpu.memref_slice %arg10[%dma_start3A_128, %dma_start3A_131] : memref<4x128xi32, #tpu.memory_space<vmem>> -> memref<1x128xi32, #tpu.memory_space<vmem>>
    %dma_start3A_133 = tpu.memref_squeeze %dma_start3A_132 : memref<1x128xi32, #tpu.memory_space<vmem>> -> memref<128xi32, #tpu.memory_space<vmem>>
    %dma_start3A_134 = arith.constant 0 : i32
    %dma_start3A_135 = tpu.memref_slice %arg6[%dma_start3A_134] : memref<100000xf32, #tpu.memory_space<hbm>> -> memref<100000xf32, #tpu.memory_space<hbm>>
    tpu.enqueue_indirect_dma source(%dma_start3A_135 : memref<100000xf32, #tpu.memory_space<hbm>>) target(%dma_start3A_130 : memref<128xf32, #tpu.memory_space<vmem>>) offsets(%dma_start3A_133 : memref<128xi32, #tpu.memory_space<vmem>>) semaphore(%arg21 : memref<!tpu.dma_semaphore, #tpu.memory_space<semaphore_mem>>)
    %dma_start3A_136 = arith.constant 3 : i32
    %dma_start3A_137 = arith.constant 384 : i32
    %dma_start3A_138 = tpu.memref_slice %arg16[%dma_start3A_137] : memref<512xf32, #tpu.memory_space<vmem>> -> memref<128xf32, #tpu.memory_space<vmem>>
    %dma_start3A_139 = arith.constant 0 : i32
    %dma_start3A_140 = tpu.memref_slice %arg11[%dma_start3A_136, %dma_start3A_139] : memref<4x128xi32, #tpu.memory_space<vmem>> -> memref<1x128xi32, #tpu.memory_space<vmem>>
    %dma_start3A_141 = tpu.memref_squeeze %dma_start3A_140 : memref<1x128xi32, #tpu.memory_space<vmem>> -> memref<128xi32, #tpu.memory_space<vmem>>
    %dma_start3A_142 = arith.constant 0 : i32
    %dma_start3A_143 = tpu.memref_slice %arg8[%dma_start3A_142] : memref<100000xf32, #tpu.memory_space<hbm>> -> memref<100000xf32, #tpu.memory_space<hbm>>
    tpu.enqueue_indirect_dma source(%dma_start3A_143 : memref<100000xf32, #tpu.memory_space<hbm>>) target(%dma_start3A_138 : memref<128xf32, #tpu.memory_space<vmem>>) offsets(%dma_start3A_141 : memref<128xi32, #tpu.memory_space<vmem>>) semaphore(%arg22 : memref<!tpu.dma_semaphore, #tpu.memory_space<semaphore_mem>>)
    %dma_wait3A = arith.constant 0 : i32
    %dma_wait3A_144 = arith.constant 0 : i32
    %dma_wait3A_145 = arith.constant 0 : i32
    %dma_wait3A_146 = tpu.memref_slice %arg13[%dma_wait3A_144, %dma_wait3A_145] : memref<512x64xf32, #tpu.memory_space<vmem>> -> memref<128x64xf32, #tpu.memory_space<vmem>>
    %dma_wait3A_147 = arith.constant 0 : i32
    %dma_wait3A_148 = tpu.memref_slice %arg10[%dma_wait3A, %dma_wait3A_147] : memref<4x128xi32, #tpu.memory_space<vmem>> -> memref<1x128xi32, #tpu.memory_space<vmem>>
    %dma_wait3A_149 = tpu.memref_squeeze %dma_wait3A_148 : memref<1x128xi32, #tpu.memory_space<vmem>> -> memref<128xi32, #tpu.memory_space<vmem>>
    %dma_wait3A_150 = arith.constant 0 : i32
    %dma_wait3A_151 = arith.constant 0 : i32
    %dma_wait3A_152 = tpu.memref_slice %arg5[%dma_wait3A_150, %dma_wait3A_151] : memref<100000x64xf32, #tpu.memory_space<hbm>> -> memref<100000x64xf32, #tpu.memory_space<hbm>>
    tpu.wait_indirect_dma semaphore(%arg19 : memref<!tpu.dma_semaphore, #tpu.memory_space<semaphore_mem>>) src(%dma_wait3A_152 : memref<100000x64xf32, #tpu.memory_space<hbm>>) dst(%dma_wait3A_146 : memref<128x64xf32, #tpu.memory_space<vmem>>)
    %dma_wait3A_153 = arith.constant 0 : i32
    %dma_wait3A_154 = arith.constant 0 : i32
    %dma_wait3A_155 = arith.constant 0 : i32
    %dma_wait3A_156 = tpu.memref_slice %arg14[%dma_wait3A_154, %dma_wait3A_155] : memref<512x64xf32, #tpu.memory_space<vmem>> -> memref<128x64xf32, #tpu.memory_space<vmem>>
    %dma_wait3A_157 = arith.constant 0 : i32
    %dma_wait3A_158 = tpu.memref_slice %arg11[%dma_wait3A_153, %dma_wait3A_157] : memref<4x128xi32, #tpu.memory_space<vmem>> -> memref<1x128xi32, #tpu.memory_space<vmem>>
    %dma_wait3A_159 = tpu.memref_squeeze %dma_wait3A_158 : memref<1x128xi32, #tpu.memory_space<vmem>> -> memref<128xi32, #tpu.memory_space<vmem>>
    %dma_wait3A_160 = arith.constant 0 : i32
    %dma_wait3A_161 = arith.constant 0 : i32
    %dma_wait3A_162 = tpu.memref_slice %arg7[%dma_wait3A_160, %dma_wait3A_161] : memref<100000x64xf32, #tpu.memory_space<hbm>> -> memref<100000x64xf32, #tpu.memory_space<hbm>>
    tpu.wait_indirect_dma semaphore(%arg20 : memref<!tpu.dma_semaphore, #tpu.memory_space<semaphore_mem>>) src(%dma_wait3A_162 : memref<100000x64xf32, #tpu.memory_space<hbm>>) dst(%dma_wait3A_156 : memref<128x64xf32, #tpu.memory_space<vmem>>)
    %dma_wait3A_163 = arith.constant 0 : i32
    %dma_wait3A_164 = arith.constant 0 : i32
    %dma_wait3A_165 = tpu.memref_slice %arg15[%dma_wait3A_164] : memref<512xf32, #tpu.memory_space<vmem>> -> memref<128xf32, #tpu.memory_space<vmem>>
    %dma_wait3A_166 = arith.constant 0 : i32
    %dma_wait3A_167 = tpu.memref_slice %arg10[%dma_wait3A_163, %dma_wait3A_166] : memref<4x128xi32, #tpu.memory_space<vmem>> -> memref<1x128xi32, #tpu.memory_space<vmem>>
    %dma_wait3A_168 = tpu.memref_squeeze %dma_wait3A_167 : memref<1x128xi32, #tpu.memory_space<vmem>> -> memref<128xi32, #tpu.memory_space<vmem>>
    %dma_wait3A_169 = arith.constant 0 : i32
    %dma_wait3A_170 = tpu.memref_slice %arg6[%dma_wait3A_169] : memref<100000xf32, #tpu.memory_space<hbm>> -> memref<100000xf32, #tpu.memory_space<hbm>>
    tpu.wait_indirect_dma semaphore(%arg21 : memref<!tpu.dma_semaphore, #tpu.memory_space<semaphore_mem>>) src(%dma_wait3A_170 : memref<100000xf32, #tpu.memory_space<hbm>>) dst(%dma_wait3A_165 : memref<128xf32, #tpu.memory_space<vmem>>)
    %dma_wait3A_171 = arith.constant 0 : i32
    %dma_wait3A_172 = arith.constant 0 : i32
    %dma_wait3A_173 = tpu.memref_slice %arg16[%dma_wait3A_172] : memref<512xf32, #tpu.memory_space<vmem>> -> memref<128xf32, #tpu.memory_space<vmem>>
    %dma_wait3A_174 = arith.constant 0 : i32
    %dma_wait3A_175 = tpu.memref_slice %arg11[%dma_wait3A_171, %dma_wait3A_174] : memref<4x128xi32, #tpu.memory_space<vmem>> -> memref<1x128xi32, #tpu.memory_space<vmem>>
    %dma_wait3A_176 = tpu.memref_squeeze %dma_wait3A_175 : memref<1x128xi32, #tpu.memory_space<vmem>> -> memref<128xi32, #tpu.memory_space<vmem>>
    %dma_wait3A_177 = arith.constant 0 : i32
    %dma_wait3A_178 = tpu.memref_slice %arg8[%dma_wait3A_177] : memref<100000xf32, #tpu.memory_space<hbm>> -> memref<100000xf32, #tpu.memory_space<hbm>>
    tpu.wait_indirect_dma semaphore(%arg22 : memref<!tpu.dma_semaphore, #tpu.memory_space<semaphore_mem>>) src(%dma_wait3A_178 : memref<100000xf32, #tpu.memory_space<hbm>>) dst(%dma_wait3A_173 : memref<128xf32, #tpu.memory_space<vmem>>)
    %dma_wait3A_179 = arith.constant 1 : i32
    %dma_wait3A_180 = arith.constant 128 : i32
    %dma_wait3A_181 = arith.constant 0 : i32
    %dma_wait3A_182 = tpu.memref_slice %arg13[%dma_wait3A_180, %dma_wait3A_181] : memref<512x64xf32, #tpu.memory_space<vmem>> -> memref<128x64xf32, #tpu.memory_space<vmem>>
    %dma_wait3A_183 = arith.constant 0 : i32
    %dma_wait3A_184 = tpu.memref_slice %arg10[%dma_wait3A_179, %dma_wait3A_183] : memref<4x128xi32, #tpu.memory_space<vmem>> -> memref<1x128xi32, #tpu.memory_space<vmem>>
    %dma_wait3A_185 = tpu.memref_squeeze %dma_wait3A_184 : memref<1x128xi32, #tpu.memory_space<vmem>> -> memref<128xi32, #tpu.memory_space<vmem>>
    %dma_wait3A_186 = arith.constant 0 : i32
    %dma_wait3A_187 = arith.constant 0 : i32
    %dma_wait3A_188 = tpu.memref_slice %arg5[%dma_wait3A_186, %dma_wait3A_187] : memref<100000x64xf32, #tpu.memory_space<hbm>> -> memref<100000x64xf32, #tpu.memory_space<hbm>>
    tpu.wait_indirect_dma semaphore(%arg19 : memref<!tpu.dma_semaphore, #tpu.memory_space<semaphore_mem>>) src(%dma_wait3A_188 : memref<100000x64xf32, #tpu.memory_space<hbm>>) dst(%dma_wait3A_182 : memref<128x64xf32, #tpu.memory_space<vmem>>)
    %dma_wait3A_189 = arith.constant 1 : i32
    %dma_wait3A_190 = arith.constant 128 : i32
    %dma_wait3A_191 = arith.constant 0 : i32
    %dma_wait3A_192 = tpu.memref_slice %arg14[%dma_wait3A_190, %dma_wait3A_191] : memref<512x64xf32, #tpu.memory_space<vmem>> -> memref<128x64xf32, #tpu.memory_space<vmem>>
    %dma_wait3A_193 = arith.constant 0 : i32
    %dma_wait3A_194 = tpu.memref_slice %arg11[%dma_wait3A_189, %dma_wait3A_193] : memref<4x128xi32, #tpu.memory_space<vmem>> -> memref<1x128xi32, #tpu.memory_space<vmem>>
    %dma_wait3A_195 = tpu.memref_squeeze %dma_wait3A_194 : memref<1x128xi32, #tpu.memory_space<vmem>> -> memref<128xi32, #tpu.memory_space<vmem>>
    %dma_wait3A_196 = arith.constant 0 : i32
    %dma_wait3A_197 = arith.constant 0 : i32
    %dma_wait3A_198 = tpu.memref_slice %arg7[%dma_wait3A_196, %dma_wait3A_197] : memref<100000x64xf32, #tpu.memory_space<hbm>> -> memref<100000x64xf32, #tpu.memory_space<hbm>>
    tpu.wait_indirect_dma semaphore(%arg20 : memref<!tpu.dma_semaphore, #tpu.memory_space<semaphore_mem>>) src(%dma_wait3A_198 : memref<100000x64xf32, #tpu.memory_space<hbm>>) dst(%dma_wait3A_192 : memref<128x64xf32, #tpu.memory_space<vmem>>)
    %dma_wait3A_199 = arith.constant 1 : i32
    %dma_wait3A_200 = arith.constant 128 : i32
    %dma_wait3A_201 = tpu.memref_slice %arg15[%dma_wait3A_200] : memref<512xf32, #tpu.memory_space<vmem>> -> memref<128xf32, #tpu.memory_space<vmem>>
    %dma_wait3A_202 = arith.constant 0 : i32
    %dma_wait3A_203 = tpu.memref_slice %arg10[%dma_wait3A_199, %dma_wait3A_202] : memref<4x128xi32, #tpu.memory_space<vmem>> -> memref<1x128xi32, #tpu.memory_space<vmem>>
    %dma_wait3A_204 = tpu.memref_squeeze %dma_wait3A_203 : memref<1x128xi32, #tpu.memory_space<vmem>> -> memref<128xi32, #tpu.memory_space<vmem>>
    %dma_wait3A_205 = arith.constant 0 : i32
    %dma_wait3A_206 = tpu.memref_slice %arg6[%dma_wait3A_205] : memref<100000xf32, #tpu.memory_space<hbm>> -> memref<100000xf32, #tpu.memory_space<hbm>>
    tpu.wait_indirect_dma semaphore(%arg21 : memref<!tpu.dma_semaphore, #tpu.memory_space<semaphore_mem>>) src(%dma_wait3A_206 : memref<100000xf32, #tpu.memory_space<hbm>>) dst(%dma_wait3A_201 : memref<128xf32, #tpu.memory_space<vmem>>)
    %dma_wait3A_207 = arith.constant 1 : i32
    %dma_wait3A_208 = arith.constant 128 : i32
    %dma_wait3A_209 = tpu.memref_slice %arg16[%dma_wait3A_208] : memref<512xf32, #tpu.memory_space<vmem>> -> memref<128xf32, #tpu.memory_space<vmem>>
    %dma_wait3A_210 = arith.constant 0 : i32
    %dma_wait3A_211 = tpu.memref_slice %arg11[%dma_wait3A_207, %dma_wait3A_210] : memref<4x128xi32, #tpu.memory_space<vmem>> -> memref<1x128xi32, #tpu.memory_space<vmem>>
    %dma_wait3A_212 = tpu.memref_squeeze %dma_wait3A_211 : memref<1x128xi32, #tpu.memory_space<vmem>> -> memref<128xi32, #tpu.memory_space<vmem>>
    %dma_wait3A_213 = arith.constant 0 : i32
    %dma_wait3A_214 = tpu.memref_slice %arg8[%dma_wait3A_213] : memref<100000xf32, #tpu.memory_space<hbm>> -> memref<100000xf32, #tpu.memory_space<hbm>>
    tpu.wait_indirect_dma semaphore(%arg22 : memref<!tpu.dma_semaphore, #tpu.memory_space<semaphore_mem>>) src(%dma_wait3A_214 : memref<100000xf32, #tpu.memory_space<hbm>>) dst(%dma_wait3A_209 : memref<128xf32, #tpu.memory_space<vmem>>)
    %dma_wait3A_215 = arith.constant 2 : i32
    %dma_wait3A_216 = arith.constant 256 : i32
    %dma_wait3A_217 = arith.constant 0 : i32
    %dma_wait3A_218 = tpu.memref_slice %arg13[%dma_wait3A_216, %dma_wait3A_217] : memref<512x64xf32, #tpu.memory_space<vmem>> -> memref<128x64xf32, #tpu.memory_space<vmem>>
    %dma_wait3A_219 = arith.constant 0 : i32
    %dma_wait3A_220 = tpu.memref_slice %arg10[%dma_wait3A_215, %dma_wait3A_219] : memref<4x128xi32, #tpu.memory_space<vmem>> -> memref<1x128xi32, #tpu.memory_space<vmem>>
    %dma_wait3A_221 = tpu.memref_squeeze %dma_wait3A_220 : memref<1x128xi32, #tpu.memory_space<vmem>> -> memref<128xi32, #tpu.memory_space<vmem>>
    %dma_wait3A_222 = arith.constant 0 : i32
    %dma_wait3A_223 = arith.constant 0 : i32
    %dma_wait3A_224 = tpu.memref_slice %arg5[%dma_wait3A_222, %dma_wait3A_223] : memref<100000x64xf32, #tpu.memory_space<hbm>> -> memref<100000x64xf32, #tpu.memory_space<hbm>>
    tpu.wait_indirect_dma semaphore(%arg19 : memref<!tpu.dma_semaphore, #tpu.memory_space<semaphore_mem>>) src(%dma_wait3A_224 : memref<100000x64xf32, #tpu.memory_space<hbm>>) dst(%dma_wait3A_218 : memref<128x64xf32, #tpu.memory_space<vmem>>)
    %dma_wait3A_225 = arith.constant 2 : i32
    %dma_wait3A_226 = arith.constant 256 : i32
    %dma_wait3A_227 = arith.constant 0 : i32
    %dma_wait3A_228 = tpu.memref_slice %arg14[%dma_wait3A_226, %dma_wait3A_227] : memref<512x64xf32, #tpu.memory_space<vmem>> -> memref<128x64xf32, #tpu.memory_space<vmem>>
    %dma_wait3A_229 = arith.constant 0 : i32
    %dma_wait3A_230 = tpu.memref_slice %arg11[%dma_wait3A_225, %dma_wait3A_229] : memref<4x128xi32, #tpu.memory_space<vmem>> -> memref<1x128xi32, #tpu.memory_space<vmem>>
    %dma_wait3A_231 = tpu.memref_squeeze %dma_wait3A_230 : memref<1x128xi32, #tpu.memory_space<vmem>> -> memref<128xi32, #tpu.memory_space<vmem>>
    %dma_wait3A_232 = arith.constant 0 : i32
    %dma_wait3A_233 = arith.constant 0 : i32
    %dma_wait3A_234 = tpu.memref_slice %arg7[%dma_wait3A_232, %dma_wait3A_233] : memref<100000x64xf32, #tpu.memory_space<hbm>> -> memref<100000x64xf32, #tpu.memory_space<hbm>>
    tpu.wait_indirect_dma semaphore(%arg20 : memref<!tpu.dma_semaphore, #tpu.memory_space<semaphore_mem>>) src(%dma_wait3A_234 : memref<100000x64xf32, #tpu.memory_space<hbm>>) dst(%dma_wait3A_228 : memref<128x64xf32, #tpu.memory_space<vmem>>)
    %dma_wait3A_235 = arith.constant 2 : i32
    %dma_wait3A_236 = arith.constant 256 : i32
    %dma_wait3A_237 = tpu.memref_slice %arg15[%dma_wait3A_236] : memref<512xf32, #tpu.memory_space<vmem>> -> memref<128xf32, #tpu.memory_space<vmem>>
    %dma_wait3A_238 = arith.constant 0 : i32
    %dma_wait3A_239 = tpu.memref_slice %arg10[%dma_wait3A_235, %dma_wait3A_238] : memref<4x128xi32, #tpu.memory_space<vmem>> -> memref<1x128xi32, #tpu.memory_space<vmem>>
    %dma_wait3A_240 = tpu.memref_squeeze %dma_wait3A_239 : memref<1x128xi32, #tpu.memory_space<vmem>> -> memref<128xi32, #tpu.memory_space<vmem>>
    %dma_wait3A_241 = arith.constant 0 : i32
    %dma_wait3A_242 = tpu.memref_slice %arg6[%dma_wait3A_241] : memref<100000xf32, #tpu.memory_space<hbm>> -> memref<100000xf32, #tpu.memory_space<hbm>>
    tpu.wait_indirect_dma semaphore(%arg21 : memref<!tpu.dma_semaphore, #tpu.memory_space<semaphore_mem>>) src(%dma_wait3A_242 : memref<100000xf32, #tpu.memory_space<hbm>>) dst(%dma_wait3A_237 : memref<128xf32, #tpu.memory_space<vmem>>)
    %dma_wait3A_243 = arith.constant 2 : i32
    %dma_wait3A_244 = arith.constant 256 : i32
    %dma_wait3A_245 = tpu.memref_slice %arg16[%dma_wait3A_244] : memref<512xf32, #tpu.memory_space<vmem>> -> memref<128xf32, #tpu.memory_space<vmem>>
    %dma_wait3A_246 = arith.constant 0 : i32
    %dma_wait3A_247 = tpu.memref_slice %arg11[%dma_wait3A_243, %dma_wait3A_246] : memref<4x128xi32, #tpu.memory_space<vmem>> -> memref<1x128xi32, #tpu.memory_space<vmem>>
    %dma_wait3A_248 = tpu.memref_squeeze %dma_wait3A_247 : memref<1x128xi32, #tpu.memory_space<vmem>> -> memref<128xi32, #tpu.memory_space<vmem>>
    %dma_wait3A_249 = arith.constant 0 : i32
    %dma_wait3A_250 = tpu.memref_slice %arg8[%dma_wait3A_249] : memref<100000xf32, #tpu.memory_space<hbm>> -> memref<100000xf32, #tpu.memory_space<hbm>>
    tpu.wait_indirect_dma semaphore(%arg22 : memref<!tpu.dma_semaphore, #tpu.memory_space<semaphore_mem>>) src(%dma_wait3A_250 : memref<100000xf32, #tpu.memory_space<hbm>>) dst(%dma_wait3A_245 : memref<128xf32, #tpu.memory_space<vmem>>)
    %dma_wait3A_251 = arith.constant 3 : i32
    %dma_wait3A_252 = arith.constant 384 : i32
    %dma_wait3A_253 = arith.constant 0 : i32
    %dma_wait3A_254 = tpu.memref_slice %arg13[%dma_wait3A_252, %dma_wait3A_253] : memref<512x64xf32, #tpu.memory_space<vmem>> -> memref<128x64xf32, #tpu.memory_space<vmem>>
    %dma_wait3A_255 = arith.constant 0 : i32
    %dma_wait3A_256 = tpu.memref_slice %arg10[%dma_wait3A_251, %dma_wait3A_255] : memref<4x128xi32, #tpu.memory_space<vmem>> -> memref<1x128xi32, #tpu.memory_space<vmem>>
    %dma_wait3A_257 = tpu.memref_squeeze %dma_wait3A_256 : memref<1x128xi32, #tpu.memory_space<vmem>> -> memref<128xi32, #tpu.memory_space<vmem>>
    %dma_wait3A_258 = arith.constant 0 : i32
    %dma_wait3A_259 = arith.constant 0 : i32
    %dma_wait3A_260 = tpu.memref_slice %arg5[%dma_wait3A_258, %dma_wait3A_259] : memref<100000x64xf32, #tpu.memory_space<hbm>> -> memref<100000x64xf32, #tpu.memory_space<hbm>>
    tpu.wait_indirect_dma semaphore(%arg19 : memref<!tpu.dma_semaphore, #tpu.memory_space<semaphore_mem>>) src(%dma_wait3A_260 : memref<100000x64xf32, #tpu.memory_space<hbm>>) dst(%dma_wait3A_254 : memref<128x64xf32, #tpu.memory_space<vmem>>)
    %dma_wait3A_261 = arith.constant 3 : i32
    %dma_wait3A_262 = arith.constant 384 : i32
    %dma_wait3A_263 = arith.constant 0 : i32
    %dma_wait3A_264 = tpu.memref_slice %arg14[%dma_wait3A_262, %dma_wait3A_263] : memref<512x64xf32, #tpu.memory_space<vmem>> -> memref<128x64xf32, #tpu.memory_space<vmem>>
    %dma_wait3A_265 = arith.constant 0 : i32
    %dma_wait3A_266 = tpu.memref_slice %arg11[%dma_wait3A_261, %dma_wait3A_265] : memref<4x128xi32, #tpu.memory_space<vmem>> -> memref<1x128xi32, #tpu.memory_space<vmem>>
    %dma_wait3A_267 = tpu.memref_squeeze %dma_wait3A_266 : memref<1x128xi32, #tpu.memory_space<vmem>> -> memref<128xi32, #tpu.memory_space<vmem>>
    %dma_wait3A_268 = arith.constant 0 : i32
    %dma_wait3A_269 = arith.constant 0 : i32
    %dma_wait3A_270 = tpu.memref_slice %arg7[%dma_wait3A_268, %dma_wait3A_269] : memref<100000x64xf32, #tpu.memory_space<hbm>> -> memref<100000x64xf32, #tpu.memory_space<hbm>>
    tpu.wait_indirect_dma semaphore(%arg20 : memref<!tpu.dma_semaphore, #tpu.memory_space<semaphore_mem>>) src(%dma_wait3A_270 : memref<100000x64xf32, #tpu.memory_space<hbm>>) dst(%dma_wait3A_264 : memref<128x64xf32, #tpu.memory_space<vmem>>)
    %dma_wait3A_271 = arith.constant 3 : i32
    %dma_wait3A_272 = arith.constant 384 : i32
    %dma_wait3A_273 = tpu.memref_slice %arg15[%dma_wait3A_272] : memref<512xf32, #tpu.memory_space<vmem>> -> memref<128xf32, #tpu.memory_space<vmem>>
    %dma_wait3A_274 = arith.constant 0 : i32
    %dma_wait3A_275 = tpu.memref_slice %arg10[%dma_wait3A_271, %dma_wait3A_274] : memref<4x128xi32, #tpu.memory_space<vmem>> -> memref<1x128xi32, #tpu.memory_space<vmem>>
    %dma_wait3A_276 = tpu.memref_squeeze %dma_wait3A_275 : memref<1x128xi32, #tpu.memory_space<vmem>> -> memref<128xi32, #tpu.memory_space<vmem>>
    %dma_wait3A_277 = arith.constant 0 : i32
    %dma_wait3A_278 = tpu.memref_slice %arg6[%dma_wait3A_277] : memref<100000xf32, #tpu.memory_space<hbm>> -> memref<100000xf32, #tpu.memory_space<hbm>>
    tpu.wait_indirect_dma semaphore(%arg21 : memref<!tpu.dma_semaphore, #tpu.memory_space<semaphore_mem>>) src(%dma_wait3A_278 : memref<100000xf32, #tpu.memory_space<hbm>>) dst(%dma_wait3A_273 : memref<128xf32, #tpu.memory_space<vmem>>)
    %dma_wait3A_279 = arith.constant 3 : i32
    %dma_wait3A_280 = arith.constant 384 : i32
    %dma_wait3A_281 = tpu.memref_slice %arg16[%dma_wait3A_280] : memref<512xf32, #tpu.memory_space<vmem>> -> memref<128xf32, #tpu.memory_space<vmem>>
    %dma_wait3A_282 = arith.constant 0 : i32
    %dma_wait3A_283 = tpu.memref_slice %arg11[%dma_wait3A_279, %dma_wait3A_282] : memref<4x128xi32, #tpu.memory_space<vmem>> -> memref<1x128xi32, #tpu.memory_space<vmem>>
    %dma_wait3A_284 = tpu.memref_squeeze %dma_wait3A_283 : memref<1x128xi32, #tpu.memory_space<vmem>> -> memref<128xi32, #tpu.memory_space<vmem>>
    %dma_wait3A_285 = arith.constant 0 : i32
    %dma_wait3A_286 = tpu.memref_slice %arg8[%dma_wait3A_285] : memref<100000xf32, #tpu.memory_space<hbm>> -> memref<100000xf32, #tpu.memory_space<hbm>>
    tpu.wait_indirect_dma semaphore(%arg22 : memref<!tpu.dma_semaphore, #tpu.memory_space<semaphore_mem>>) src(%dma_wait3A_286 : memref<100000xf32, #tpu.memory_space<hbm>>) dst(%dma_wait3A_281 : memref<128xf32, #tpu.memory_space<vmem>>)
    %iota3A = tpu.iota {dimensions = array<i32: 0>} : vector<16xi32>
    %mul3A_287 = arith.constant 17 : i32
    %mul3A_288 = vector.broadcast %mul3A_287 : i32 to vector<16xi32>
    %mul3A_289 = arith.muli %iota3A, %mul3A_288 : vector<16xi32>
    %broadcast_in_dim3A = arith.constant 0.000000e+00 : f32
    %broadcast_in_dim3A_290 = vector.broadcast %broadcast_in_dim3A : f32 to vector<16xf32>
    %scan3A = arith.constant 0 : i32
    %scan3A_291 = arith.constant 32 : i32
    %scan3A_292 = arith.addi %scan3A, %scan3A_291 : i32
    %scan3A_293 = arith.constant 1 : i32
    %scan3A_294 = scf.for %scan3A_297 = %scan3A to %scan3A_292 step %scan3A_293 iter_args(%scan3A_298 = %broadcast_in_dim3A_290) -> (vector<16xf32>)  : i32 {
      %mul3A_299 = arith.constant 16 : i32
      %mul3A_300 = arith.muli %scan3A_297, %mul3A_299 : i32
      %add3A_301 = arith.constant 0 : i32
      %add3A_302 = arith.addi %mul3A_300, %add3A_301 : i32
      %get3A = arith.index_cast %add3A_302 : i32 to index
      %get3A_303 = arith.constant 0 : index
      %get3A_304 = tpu.vector_load %arg13[%get3A, %get3A_303] {strides = array<i32>} : memref<512x64xf32, #tpu.memory_space<vmem>>, vector<16xf32>,
      %get3A_305 = arith.index_cast %add3A_302 : i32 to index
      %get3A_306 = arith.constant 0 : index
      %get3A_307 = tpu.vector_load %arg14[%get3A_305, %get3A_306] {strides = array<i32>} : memref<512x64xf32, #tpu.memory_space<vmem>>, vector<16xf32>,
      %mul3A_308 = arith.mulf %get3A_304, %get3A_307 : vector<16xf32>
      %get3A_309 = arith.index_cast %add3A_302 : i32 to index
      %get3A_310 = arith.constant 16 : index
      %get3A_311 = tpu.vector_load %arg13[%get3A_309, %get3A_310] {strides = array<i32>} : memref<512x64xf32, #tpu.memory_space<vmem>>, vector<16xf32>,
      %get3A_312 = arith.index_cast %add3A_302 : i32 to index
      %get3A_313 = arith.constant 16 : index
      %get3A_314 = tpu.vector_load %arg14[%get3A_312, %get3A_313] {strides = array<i32>} : memref<512x64xf32, #tpu.memory_space<vmem>>, vector<16xf32>,
      %mul3A_315 = arith.mulf %get3A_311, %get3A_314 : vector<16xf32>
      %add3A_316 = arith.addf %mul3A_308, %mul3A_315 : vector<16xf32>
      %get3A_317 = arith.index_cast %add3A_302 : i32 to index
      %get3A_318 = arith.constant 32 : index
      %get3A_319 = tpu.vector_load %arg13[%get3A_317, %get3A_318] {strides = array<i32>} : memref<512x64xf32, #tpu.memory_space<vmem>>, vector<16xf32>,
      %get3A_320 = arith.index_cast %add3A_302 : i32 to index
      %get3A_321 = arith.constant 32 : index
      %get3A_322 = tpu.vector_load %arg14[%get3A_320, %get3A_321] {strides = array<i32>} : memref<512x64xf32, #tpu.memory_space<vmem>>, vector<16xf32>,
      %mul3A_323 = arith.mulf %get3A_319, %get3A_322 : vector<16xf32>
      %add3A_324 = arith.addf %add3A_316, %mul3A_323 : vector<16xf32>
      %get3A_325 = arith.index_cast %add3A_302 : i32 to index
      %get3A_326 = arith.constant 48 : index
      %get3A_327 = tpu.vector_load %arg13[%get3A_325, %get3A_326] {strides = array<i32>} : memref<512x64xf32, #tpu.memory_space<vmem>>, vector<16xf32>,
      %get3A_328 = arith.index_cast %add3A_302 : i32 to index
      %get3A_329 = arith.constant 48 : index
      %get3A_330 = tpu.vector_load %arg14[%get3A_328, %get3A_329] {strides = array<i32>} : memref<512x64xf32, #tpu.memory_space<vmem>>, vector<16xf32>,
      %mul3A_331 = arith.mulf %get3A_327, %get3A_330 : vector<16xf32>
      %add3A_332 = arith.addf %add3A_324, %mul3A_331 : vector<16xf32>
      %add3A_333 = arith.constant 0 : i32
      %add3A_334 = vector.broadcast %add3A_333 : i32 to vector<16xi32>
      %add3A_335 = arith.addi %mul3A_289, %add3A_334 : vector<16xi32>
      tpu.vector_store_idx %arg18[%add3A_335], %add3A_332 : memref<272xf32, #tpu.memory_space<vmem>>[vector<16xi32>], vector<16xf32>,
      %add3A_336 = arith.constant 1 : i32
      %add3A_337 = arith.addi %mul3A_300, %add3A_336 : i32
      %get3A_338 = arith.index_cast %add3A_337 : i32 to index
      %get3A_339 = arith.constant 0 : index
      %get3A_340 = tpu.vector_load %arg13[%get3A_338, %get3A_339] {strides = array<i32>} : memref<512x64xf32, #tpu.memory_space<vmem>>, vector<16xf32>,
      %get3A_341 = arith.index_cast %add3A_337 : i32 to index
      %get3A_342 = arith.constant 0 : index
      %get3A_343 = tpu.vector_load %arg14[%get3A_341, %get3A_342] {strides = array<i32>} : memref<512x64xf32, #tpu.memory_space<vmem>>, vector<16xf32>,
      %mul3A_344 = arith.mulf %get3A_340, %get3A_343 : vector<16xf32>
      %get3A_345 = arith.index_cast %add3A_337 : i32 to index
      %get3A_346 = arith.constant 16 : index
      %get3A_347 = tpu.vector_load %arg13[%get3A_345, %get3A_346] {strides = array<i32>} : memref<512x64xf32, #tpu.memory_space<vmem>>, vector<16xf32>,
      %get3A_348 = arith.index_cast %add3A_337 : i32 to index
      %get3A_349 = arith.constant 16 : index
      %get3A_350 = tpu.vector_load %arg14[%get3A_348, %get3A_349] {strides = array<i32>} : memref<512x64xf32, #tpu.memory_space<vmem>>, vector<16xf32>,
      %mul3A_351 = arith.mulf %get3A_347, %get3A_350 : vector<16xf32>
      %add3A_352 = arith.addf %mul3A_344, %mul3A_351 : vector<16xf32>
      %get3A_353 = arith.index_cast %add3A_337 : i32 to index
      %get3A_354 = arith.constant 32 : index
      %get3A_355 = tpu.vector_load %arg13[%get3A_353, %get3A_354] {strides = array<i32>} : memref<512x64xf32, #tpu.memory_space<vmem>>, vector<16xf32>,
      %get3A_356 = arith.index_cast %add3A_337 : i32 to index
      %get3A_357 = arith.constant 32 : index
      %get3A_358 = tpu.vector_load %arg14[%get3A_356, %get3A_357] {strides = array<i32>} : memref<512x64xf32, #tpu.memory_space<vmem>>, vector<16xf32>,
      %mul3A_359 = arith.mulf %get3A_355, %get3A_358 : vector<16xf32>
      %add3A_360 = arith.addf %add3A_352, %mul3A_359 : vector<16xf32>
      %get3A_361 = arith.index_cast %add3A_337 : i32 to index
      %get3A_362 = arith.constant 48 : index
      %get3A_363 = tpu.vector_load %arg13[%get3A_361, %get3A_362] {strides = array<i32>} : memref<512x64xf32, #tpu.memory_space<vmem>>, vector<16xf32>,
      %get3A_364 = arith.index_cast %add3A_337 : i32 to index
      %get3A_365 = arith.constant 48 : index
      %get3A_366 = tpu.vector_load %arg14[%get3A_364, %get3A_365] {strides = array<i32>} : memref<512x64xf32, #tpu.memory_space<vmem>>, vector<16xf32>,
      %mul3A_367 = arith.mulf %get3A_363, %get3A_366 : vector<16xf32>
      %add3A_368 = arith.addf %add3A_360, %mul3A_367 : vector<16xf32>
      %add3A_369 = arith.constant 1 : i32
      %add3A_370 = vector.broadcast %add3A_369 : i32 to vector<16xi32>
      %add3A_371 = arith.addi %mul3A_289, %add3A_370 : vector<16xi32>
      tpu.vector_store_idx %arg18[%add3A_371], %add3A_368 : memref<272xf32, #tpu.memory_space<vmem>>[vector<16xi32>], vector<16xf32>,
      %add3A_372 = arith.constant 2 : i32
      %add3A_373 = arith.addi %mul3A_300, %add3A_372 : i32
      %get3A_374 = arith.index_cast %add3A_373 : i32 to index
      %get3A_375 = arith.constant 0 : index
      %get3A_376 = tpu.vector_load %arg13[%get3A_374, %get3A_375] {strides = array<i32>} : memref<512x64xf32, #tpu.memory_space<vmem>>, vector<16xf32>,
      %get3A_377 = arith.index_cast %add3A_373 : i32 to index
      %get3A_378 = arith.constant 0 : index
      %get3A_379 = tpu.vector_load %arg14[%get3A_377, %get3A_378] {strides = array<i32>} : memref<512x64xf32, #tpu.memory_space<vmem>>, vector<16xf32>,
      %mul3A_380 = arith.mulf %get3A_376, %get3A_379 : vector<16xf32>
      %get3A_381 = arith.index_cast %add3A_373 : i32 to index
      %get3A_382 = arith.constant 16 : index
      %get3A_383 = tpu.vector_load %arg13[%get3A_381, %get3A_382] {strides = array<i32>} : memref<512x64xf32, #tpu.memory_space<vmem>>, vector<16xf32>,
      %get3A_384 = arith.index_cast %add3A_373 : i32 to index
      %get3A_385 = arith.constant 16 : index
      %get3A_386 = tpu.vector_load %arg14[%get3A_384, %get3A_385] {strides = array<i32>} : memref<512x64xf32, #tpu.memory_space<vmem>>, vector<16xf32>,
      %mul3A_387 = arith.mulf %get3A_383, %get3A_386 : vector<16xf32>
      %add3A_388 = arith.addf %mul3A_380, %mul3A_387 : vector<16xf32>
      %get3A_389 = arith.index_cast %add3A_373 : i32 to index
      %get3A_390 = arith.constant 32 : index
      %get3A_391 = tpu.vector_load %arg13[%get3A_389, %get3A_390] {strides = array<i32>} : memref<512x64xf32, #tpu.memory_space<vmem>>, vector<16xf32>,
      %get3A_392 = arith.index_cast %add3A_373 : i32 to index
      %get3A_393 = arith.constant 32 : index
      %get3A_394 = tpu.vector_load %arg14[%get3A_392, %get3A_393] {strides = array<i32>} : memref<512x64xf32, #tpu.memory_space<vmem>>, vector<16xf32>,
      %mul3A_395 = arith.mulf %get3A_391, %get3A_394 : vector<16xf32>
      %add3A_396 = arith.addf %add3A_388, %mul3A_395 : vector<16xf32>
      %get3A_397 = arith.index_cast %add3A_373 : i32 to index
      %get3A_398 = arith.constant 48 : index
      %get3A_399 = tpu.vector_load %arg13[%get3A_397, %get3A_398] {strides = array<i32>} : memref<512x64xf32, #tpu.memory_space<vmem>>, vector<16xf32>,
      %get3A_400 = arith.index_cast %add3A_373 : i32 to index
      %get3A_401 = arith.constant 48 : index
      %get3A_402 = tpu.vector_load %arg14[%get3A_400, %get3A_401] {strides = array<i32>} : memref<512x64xf32, #tpu.memory_space<vmem>>, vector<16xf32>,
      %mul3A_403 = arith.mulf %get3A_399, %get3A_402 : vector<16xf32>
      %add3A_404 = arith.addf %add3A_396, %mul3A_403 : vector<16xf32>
      %add3A_405 = arith.constant 2 : i32
      %add3A_406 = vector.broadcast %add3A_405 : i32 to vector<16xi32>
      %add3A_407 = arith.addi %mul3A_289, %add3A_406 : vector<16xi32>
      tpu.vector_store_idx %arg18[%add3A_407], %add3A_404 : memref<272xf32, #tpu.memory_space<vmem>>[vector<16xi32>], vector<16xf32>,
      %add3A_408 = arith.constant 3 : i32
      %add3A_409 = arith.addi %mul3A_300, %add3A_408 : i32
      %get3A_410 = arith.index_cast %add3A_409 : i32 to index
      %get3A_411 = arith.constant 0 : index
      %get3A_412 = tpu.vector_load %arg13[%get3A_410, %get3A_411] {strides = array<i32>} : memref<512x64xf32, #tpu.memory_space<vmem>>, vector<16xf32>,
      %get3A_413 = arith.index_cast %add3A_409 : i32 to index
      %get3A_414 = arith.constant 0 : index
      %get3A_415 = tpu.vector_load %arg14[%get3A_413, %get3A_414] {strides = array<i32>} : memref<512x64xf32, #tpu.memory_space<vmem>>, vector<16xf32>,
      %mul3A_416 = arith.mulf %get3A_412, %get3A_415 : vector<16xf32>
      %get3A_417 = arith.index_cast %add3A_409 : i32 to index
      %get3A_418 = arith.constant 16 : index
      %get3A_419 = tpu.vector_load %arg13[%get3A_417, %get3A_418] {strides = array<i32>} : memref<512x64xf32, #tpu.memory_space<vmem>>, vector<16xf32>,
      %get3A_420 = arith.index_cast %add3A_409 : i32 to index
      %get3A_421 = arith.constant 16 : index
      %get3A_422 = tpu.vector_load %arg14[%get3A_420, %get3A_421] {strides = array<i32>} : memref<512x64xf32, #tpu.memory_space<vmem>>, vector<16xf32>,
      %mul3A_423 = arith.mulf %get3A_419, %get3A_422 : vector<16xf32>
      %add3A_424 = arith.addf %mul3A_416, %mul3A_423 : vector<16xf32>
      %get3A_425 = arith.index_cast %add3A_409 : i32 to index
      %get3A_426 = arith.constant 32 : index
      %get3A_427 = tpu.vector_load %arg13[%get3A_425, %get3A_426] {strides = array<i32>} : memref<512x64xf32, #tpu.memory_space<vmem>>, vector<16xf32>,
      %get3A_428 = arith.index_cast %add3A_409 : i32 to index
      %get3A_429 = arith.constant 32 : index
      %get3A_430 = tpu.vector_load %arg14[%get3A_428, %get3A_429] {strides = array<i32>} : memref<512x64xf32, #tpu.memory_space<vmem>>, vector<16xf32>,
      %mul3A_431 = arith.mulf %get3A_427, %get3A_430 : vector<16xf32>
      %add3A_432 = arith.addf %add3A_424, %mul3A_431 : vector<16xf32>
      %get3A_433 = arith.index_cast %add3A_409 : i32 to index
      %get3A_434 = arith.constant 48 : index
      %get3A_435 = tpu.vector_load %arg13[%get3A_433, %get3A_434] {strides = array<i32>} : memref<512x64xf32, #tpu.memory_space<vmem>>, vector<16xf32>,
      %get3A_436 = arith.index_cast %add3A_409 : i32 to index
      %get3A_437 = arith.constant 48 : index
      %get3A_438 = tpu.vector_load %arg14[%get3A_436, %get3A_437] {strides = array<i32>} : memref<512x64xf32, #tpu.memory_space<vmem>>, vector<16xf32>,
      %mul3A_439 = arith.mulf %get3A_435, %get3A_438 : vector<16xf32>
      %add3A_440 = arith.addf %add3A_432, %mul3A_439 : vector<16xf32>
      %add3A_441 = arith.constant 3 : i32
      %add3A_442 = vector.broadcast %add3A_441 : i32 to vector<16xi32>
      %add3A_443 = arith.addi %mul3A_289, %add3A_442 : vector<16xi32>
      tpu.vector_store_idx %arg18[%add3A_443], %add3A_440 : memref<272xf32, #tpu.memory_space<vmem>>[vector<16xi32>], vector<16xf32>,
      %add3A_444 = arith.constant 4 : i32
      %add3A_445 = arith.addi %mul3A_300, %add3A_444 : i32
      %get3A_446 = arith.index_cast %add3A_445 : i32 to index
      %get3A_447 = arith.constant 0 : index
      %get3A_448 = tpu.vector_load %arg13[%get3A_446, %get3A_447] {strides = array<i32>} : memref<512x64xf32, #tpu.memory_space<vmem>>, vector<16xf32>,
      %get3A_449 = arith.index_cast %add3A_445 : i32 to index
      %get3A_450 = arith.constant 0 : index
      %get3A_451 = tpu.vector_load %arg14[%get3A_449, %get3A_450] {strides = array<i32>} : memref<512x64xf32, #tpu.memory_space<vmem>>, vector<16xf32>,
      %mul3A_452 = arith.mulf %get3A_448, %get3A_451 : vector<16xf32>
      %get3A_453 = arith.index_cast %add3A_445 : i32 to index
      %get3A_454 = arith.constant 16 : index
      %get3A_455 = tpu.vector_load %arg13[%get3A_453, %get3A_454] {strides = array<i32>} : memref<512x64xf32, #tpu.memory_space<vmem>>, vector<16xf32>,
      %get3A_456 = arith.index_cast %add3A_445 : i32 to index
      %get3A_457 = arith.constant 16 : index
      %get3A_458 = tpu.vector_load %arg14[%get3A_456, %get3A_457] {strides = array<i32>} : memref<512x64xf32, #tpu.memory_space<vmem>>, vector<16xf32>,
      %mul3A_459 = arith.mulf %get3A_455, %get3A_458 : vector<16xf32>
      %add3A_460 = arith.addf %mul3A_452, %mul3A_459 : vector<16xf32>
      %get3A_461 = arith.index_cast %add3A_445 : i32 to index
      %get3A_462 = arith.constant 32 : index
      %get3A_463 = tpu.vector_load %arg13[%get3A_461, %get3A_462] {strides = array<i32>} : memref<512x64xf32, #tpu.memory_space<vmem>>, vector<16xf32>,
      %get3A_464 = arith.index_cast %add3A_445 : i32 to index
      %get3A_465 = arith.constant 32 : index
      %get3A_466 = tpu.vector_load %arg14[%get3A_464, %get3A_465] {strides = array<i32>} : memref<512x64xf32, #tpu.memory_space<vmem>>, vector<16xf32>,
      %mul3A_467 = arith.mulf %get3A_463, %get3A_466 : vector<16xf32>
      %add3A_468 = arith.addf %add3A_460, %mul3A_467 : vector<16xf32>
      %get3A_469 = arith.index_cast %add3A_445 : i32 to index
      %get3A_470 = arith.constant 48 : index
      %get3A_471 = tpu.vector_load %arg13[%get3A_469, %get3A_470] {strides = array<i32>} : memref<512x64xf32, #tpu.memory_space<vmem>>, vector<16xf32>,
      %get3A_472 = arith.index_cast %add3A_445 : i32 to index
      %get3A_473 = arith.constant 48 : index
      %get3A_474 = tpu.vector_load %arg14[%get3A_472, %get3A_473] {strides = array<i32>} : memref<512x64xf32, #tpu.memory_space<vmem>>, vector<16xf32>,
      %mul3A_475 = arith.mulf %get3A_471, %get3A_474 : vector<16xf32>
      %add3A_476 = arith.addf %add3A_468, %mul3A_475 : vector<16xf32>
      %add3A_477 = arith.constant 4 : i32
      %add3A_478 = vector.broadcast %add3A_477 : i32 to vector<16xi32>
      %add3A_479 = arith.addi %mul3A_289, %add3A_478 : vector<16xi32>
      tpu.vector_store_idx %arg18[%add3A_479], %add3A_476 : memref<272xf32, #tpu.memory_space<vmem>>[vector<16xi32>], vector<16xf32>,
      %add3A_480 = arith.constant 5 : i32
      %add3A_481 = arith.addi %mul3A_300, %add3A_480 : i32
      %get3A_482 = arith.index_cast %add3A_481 : i32 to index
      %get3A_483 = arith.constant 0 : index
      %get3A_484 = tpu.vector_load %arg13[%get3A_482, %get3A_483] {strides = array<i32>} : memref<512x64xf32, #tpu.memory_space<vmem>>, vector<16xf32>,
      %get3A_485 = arith.index_cast %add3A_481 : i32 to index
      %get3A_486 = arith.constant 0 : index
      %get3A_487 = tpu.vector_load %arg14[%get3A_485, %get3A_486] {strides = array<i32>} : memref<512x64xf32, #tpu.memory_space<vmem>>, vector<16xf32>,
      %mul3A_488 = arith.mulf %get3A_484, %get3A_487 : vector<16xf32>
      %get3A_489 = arith.index_cast %add3A_481 : i32 to index
      %get3A_490 = arith.constant 16 : index
      %get3A_491 = tpu.vector_load %arg13[%get3A_489, %get3A_490] {strides = array<i32>} : memref<512x64xf32, #tpu.memory_space<vmem>>, vector<16xf32>,
      %get3A_492 = arith.index_cast %add3A_481 : i32 to index
      %get3A_493 = arith.constant 16 : index
      %get3A_494 = tpu.vector_load %arg14[%get3A_492, %get3A_493] {strides = array<i32>} : memref<512x64xf32, #tpu.memory_space<vmem>>, vector<16xf32>,
      %mul3A_495 = arith.mulf %get3A_491, %get3A_494 : vector<16xf32>
      %add3A_496 = arith.addf %mul3A_488, %mul3A_495 : vector<16xf32>
      %get3A_497 = arith.index_cast %add3A_481 : i32 to index
      %get3A_498 = arith.constant 32 : index
      %get3A_499 = tpu.vector_load %arg13[%get3A_497, %get3A_498] {strides = array<i32>} : memref<512x64xf32, #tpu.memory_space<vmem>>, vector<16xf32>,
      %get3A_500 = arith.index_cast %add3A_481 : i32 to index
      %get3A_501 = arith.constant 32 : index
      %get3A_502 = tpu.vector_load %arg14[%get3A_500, %get3A_501] {strides = array<i32>} : memref<512x64xf32, #tpu.memory_space<vmem>>, vector<16xf32>,
      %mul3A_503 = arith.mulf %get3A_499, %get3A_502 : vector<16xf32>
      %add3A_504 = arith.addf %add3A_496, %mul3A_503 : vector<16xf32>
      %get3A_505 = arith.index_cast %add3A_481 : i32 to index
      %get3A_506 = arith.constant 48 : index
      %get3A_507 = tpu.vector_load %arg13[%get3A_505, %get3A_506] {strides = array<i32>} : memref<512x64xf32, #tpu.memory_space<vmem>>, vector<16xf32>,
      %get3A_508 = arith.index_cast %add3A_481 : i32 to index
      %get3A_509 = arith.constant 48 : index
      %get3A_510 = tpu.vector_load %arg14[%get3A_508, %get3A_509] {strides = array<i32>} : memref<512x64xf32, #tpu.memory_space<vmem>>, vector<16xf32>,
      %mul3A_511 = arith.mulf %get3A_507, %get3A_510 : vector<16xf32>
      %add3A_512 = arith.addf %add3A_504, %mul3A_511 : vector<16xf32>
      %add3A_513 = arith.constant 5 : i32
      %add3A_514 = vector.broadcast %add3A_513 : i32 to vector<16xi32>
      %add3A_515 = arith.addi %mul3A_289, %add3A_514 : vector<16xi32>
      tpu.vector_store_idx %arg18[%add3A_515], %add3A_512 : memref<272xf32, #tpu.memory_space<vmem>>[vector<16xi32>], vector<16xf32>,
      %add3A_516 = arith.constant 6 : i32
      %add3A_517 = arith.addi %mul3A_300, %add3A_516 : i32
      %get3A_518 = arith.index_cast %add3A_517 : i32 to index
      %get3A_519 = arith.constant 0 : index
      %get3A_520 = tpu.vector_load %arg13[%get3A_518, %get3A_519] {strides = array<i32>} : memref<512x64xf32, #tpu.memory_space<vmem>>, vector<16xf32>,
      %get3A_521 = arith.index_cast %add3A_517 : i32 to index
      %get3A_522 = arith.constant 0 : index
      %get3A_523 = tpu.vector_load %arg14[%get3A_521, %get3A_522] {strides = array<i32>} : memref<512x64xf32, #tpu.memory_space<vmem>>, vector<16xf32>,
      %mul3A_524 = arith.mulf %get3A_520, %get3A_523 : vector<16xf32>
      %get3A_525 = arith.index_cast %add3A_517 : i32 to index
      %get3A_526 = arith.constant 16 : index
      %get3A_527 = tpu.vector_load %arg13[%get3A_525, %get3A_526] {strides = array<i32>} : memref<512x64xf32, #tpu.memory_space<vmem>>, vector<16xf32>,
      %get3A_528 = arith.index_cast %add3A_517 : i32 to index
      %get3A_529 = arith.constant 16 : index
      %get3A_530 = tpu.vector_load %arg14[%get3A_528, %get3A_529] {strides = array<i32>} : memref<512x64xf32, #tpu.memory_space<vmem>>, vector<16xf32>,
      %mul3A_531 = arith.mulf %get3A_527, %get3A_530 : vector<16xf32>
      %add3A_532 = arith.addf %mul3A_524, %mul3A_531 : vector<16xf32>
      %get3A_533 = arith.index_cast %add3A_517 : i32 to index
      %get3A_534 = arith.constant 32 : index
      %get3A_535 = tpu.vector_load %arg13[%get3A_533, %get3A_534] {strides = array<i32>} : memref<512x64xf32, #tpu.memory_space<vmem>>, vector<16xf32>,
      %get3A_536 = arith.index_cast %add3A_517 : i32 to index
      %get3A_537 = arith.constant 32 : index
      %get3A_538 = tpu.vector_load %arg14[%get3A_536, %get3A_537] {strides = array<i32>} : memref<512x64xf32, #tpu.memory_space<vmem>>, vector<16xf32>,
      %mul3A_539 = arith.mulf %get3A_535, %get3A_538 : vector<16xf32>
      %add3A_540 = arith.addf %add3A_532, %mul3A_539 : vector<16xf32>
      %get3A_541 = arith.index_cast %add3A_517 : i32 to index
      %get3A_542 = arith.constant 48 : index
      %get3A_543 = tpu.vector_load %arg13[%get3A_541, %get3A_542] {strides = array<i32>} : memref<512x64xf32, #tpu.memory_space<vmem>>, vector<16xf32>,
      %get3A_544 = arith.index_cast %add3A_517 : i32 to index
      %get3A_545 = arith.constant 48 : index
      %get3A_546 = tpu.vector_load %arg14[%get3A_544, %get3A_545] {strides = array<i32>} : memref<512x64xf32, #tpu.memory_space<vmem>>, vector<16xf32>,
      %mul3A_547 = arith.mulf %get3A_543, %get3A_546 : vector<16xf32>
      %add3A_548 = arith.addf %add3A_540, %mul3A_547 : vector<16xf32>
      %add3A_549 = arith.constant 6 : i32
      %add3A_550 = vector.broadcast %add3A_549 : i32 to vector<16xi32>
      %add3A_551 = arith.addi %mul3A_289, %add3A_550 : vector<16xi32>
      tpu.vector_store_idx %arg18[%add3A_551], %add3A_548 : memref<272xf32, #tpu.memory_space<vmem>>[vector<16xi32>], vector<16xf32>,
      %add3A_552 = arith.constant 7 : i32
      %add3A_553 = arith.addi %mul3A_300, %add3A_552 : i32
      %get3A_554 = arith.index_cast %add3A_553 : i32 to index
      %get3A_555 = arith.constant 0 : index
      %get3A_556 = tpu.vector_load %arg13[%get3A_554, %get3A_555] {strides = array<i32>} : memref<512x64xf32, #tpu.memory_space<vmem>>, vector<16xf32>,
      %get3A_557 = arith.index_cast %add3A_553 : i32 to index
      %get3A_558 = arith.constant 0 : index
      %get3A_559 = tpu.vector_load %arg14[%get3A_557, %get3A_558] {strides = array<i32>} : memref<512x64xf32, #tpu.memory_space<vmem>>, vector<16xf32>,
      %mul3A_560 = arith.mulf %get3A_556, %get3A_559 : vector<16xf32>
      %get3A_561 = arith.index_cast %add3A_553 : i32 to index
      %get3A_562 = arith.constant 16 : index
      %get3A_563 = tpu.vector_load %arg13[%get3A_561, %get3A_562] {strides = array<i32>} : memref<512x64xf32, #tpu.memory_space<vmem>>, vector<16xf32>,
      %get3A_564 = arith.index_cast %add3A_553 : i32 to index
      %get3A_565 = arith.constant 16 : index
      %get3A_566 = tpu.vector_load %arg14[%get3A_564, %get3A_565] {strides = array<i32>} : memref<512x64xf32, #tpu.memory_space<vmem>>, vector<16xf32>,
      %mul3A_567 = arith.mulf %get3A_563, %get3A_566 : vector<16xf32>
      %add3A_568 = arith.addf %mul3A_560, %mul3A_567 : vector<16xf32>
      %get3A_569 = arith.index_cast %add3A_553 : i32 to index
      %get3A_570 = arith.constant 32 : index
      %get3A_571 = tpu.vector_load %arg13[%get3A_569, %get3A_570] {strides = array<i32>} : memref<512x64xf32, #tpu.memory_space<vmem>>, vector<16xf32>,
      %get3A_572 = arith.index_cast %add3A_553 : i32 to index
      %get3A_573 = arith.constant 32 : index
      %get3A_574 = tpu.vector_load %arg14[%get3A_572, %get3A_573] {strides = array<i32>} : memref<512x64xf32, #tpu.memory_space<vmem>>, vector<16xf32>,
      %mul3A_575 = arith.mulf %get3A_571, %get3A_574 : vector<16xf32>
      %add3A_576 = arith.addf %add3A_568, %mul3A_575 : vector<16xf32>
      %get3A_577 = arith.index_cast %add3A_553 : i32 to index
      %get3A_578 = arith.constant 48 : index
      %get3A_579 = tpu.vector_load %arg13[%get3A_577, %get3A_578] {strides = array<i32>} : memref<512x64xf32, #tpu.memory_space<vmem>>, vector<16xf32>,
      %get3A_580 = arith.index_cast %add3A_553 : i32 to index
      %get3A_581 = arith.constant 48 : index
      %get3A_582 = tpu.vector_load %arg14[%get3A_580, %get3A_581] {strides = array<i32>} : memref<512x64xf32, #tpu.memory_space<vmem>>, vector<16xf32>,
      %mul3A_583 = arith.mulf %get3A_579, %get3A_582 : vector<16xf32>
      %add3A_584 = arith.addf %add3A_576, %mul3A_583 : vector<16xf32>
      %add3A_585 = arith.constant 7 : i32
      %add3A_586 = vector.broadcast %add3A_585 : i32 to vector<16xi32>
      %add3A_587 = arith.addi %mul3A_289, %add3A_586 : vector<16xi32>
      tpu.vector_store_idx %arg18[%add3A_587], %add3A_584 : memref<272xf32, #tpu.memory_space<vmem>>[vector<16xi32>], vector<16xf32>,
      %add3A_588 = arith.constant 8 : i32
      %add3A_589 = arith.addi %mul3A_300, %add3A_588 : i32
      %get3A_590 = arith.index_cast %add3A_589 : i32 to index
      %get3A_591 = arith.constant 0 : index
      %get3A_592 = tpu.vector_load %arg13[%get3A_590, %get3A_591] {strides = array<i32>} : memref<512x64xf32, #tpu.memory_space<vmem>>, vector<16xf32>,
      %get3A_593 = arith.index_cast %add3A_589 : i32 to index
      %get3A_594 = arith.constant 0 : index
      %get3A_595 = tpu.vector_load %arg14[%get3A_593, %get3A_594] {strides = array<i32>} : memref<512x64xf32, #tpu.memory_space<vmem>>, vector<16xf32>,
      %mul3A_596 = arith.mulf %get3A_592, %get3A_595 : vector<16xf32>
      %get3A_597 = arith.index_cast %add3A_589 : i32 to index
      %get3A_598 = arith.constant 16 : index
      %get3A_599 = tpu.vector_load %arg13[%get3A_597, %get3A_598] {strides = array<i32>} : memref<512x64xf32, #tpu.memory_space<vmem>>, vector<16xf32>,
      %get3A_600 = arith.index_cast %add3A_589 : i32 to index
      %get3A_601 = arith.constant 16 : index
      %get3A_602 = tpu.vector_load %arg14[%get3A_600, %get3A_601] {strides = array<i32>} : memref<512x64xf32, #tpu.memory_space<vmem>>, vector<16xf32>,
      %mul3A_603 = arith.mulf %get3A_599, %get3A_602 : vector<16xf32>
      %add3A_604 = arith.addf %mul3A_596, %mul3A_603 : vector<16xf32>
      %get3A_605 = arith.index_cast %add3A_589 : i32 to index
      %get3A_606 = arith.constant 32 : index
      %get3A_607 = tpu.vector_load %arg13[%get3A_605, %get3A_606] {strides = array<i32>} : memref<512x64xf32, #tpu.memory_space<vmem>>, vector<16xf32>,
      %get3A_608 = arith.index_cast %add3A_589 : i32 to index
      %get3A_609 = arith.constant 32 : index
      %get3A_610 = tpu.vector_load %arg14[%get3A_608, %get3A_609] {strides = array<i32>} : memref<512x64xf32, #tpu.memory_space<vmem>>, vector<16xf32>,
      %mul3A_611 = arith.mulf %get3A_607, %get3A_610 : vector<16xf32>
      %add3A_612 = arith.addf %add3A_604, %mul3A_611 : vector<16xf32>
      %get3A_613 = arith.index_cast %add3A_589 : i32 to index
      %get3A_614 = arith.constant 48 : index
      %get3A_615 = tpu.vector_load %arg13[%get3A_613, %get3A_614] {strides = array<i32>} : memref<512x64xf32, #tpu.memory_space<vmem>>, vector<16xf32>,
      %get3A_616 = arith.index_cast %add3A_589 : i32 to index
      %get3A_617 = arith.constant 48 : index
      %get3A_618 = tpu.vector_load %arg14[%get3A_616, %get3A_617] {strides = array<i32>} : memref<512x64xf32, #tpu.memory_space<vmem>>, vector<16xf32>,
      %mul3A_619 = arith.mulf %get3A_615, %get3A_618 : vector<16xf32>
      %add3A_620 = arith.addf %add3A_612, %mul3A_619 : vector<16xf32>
      %add3A_621 = arith.constant 8 : i32
      %add3A_622 = vector.broadcast %add3A_621 : i32 to vector<16xi32>
      %add3A_623 = arith.addi %mul3A_289, %add3A_622 : vector<16xi32>
      tpu.vector_store_idx %arg18[%add3A_623], %add3A_620 : memref<272xf32, #tpu.memory_space<vmem>>[vector<16xi32>], vector<16xf32>,
      %add3A_624 = arith.constant 9 : i32
      %add3A_625 = arith.addi %mul3A_300, %add3A_624 : i32
      %get3A_626 = arith.index_cast %add3A_625 : i32 to index
      %get3A_627 = arith.constant 0 : index
      %get3A_628 = tpu.vector_load %arg13[%get3A_626, %get3A_627] {strides = array<i32>} : memref<512x64xf32, #tpu.memory_space<vmem>>, vector<16xf32>,
      %get3A_629 = arith.index_cast %add3A_625 : i32 to index
      %get3A_630 = arith.constant 0 : index
      %get3A_631 = tpu.vector_load %arg14[%get3A_629, %get3A_630] {strides = array<i32>} : memref<512x64xf32, #tpu.memory_space<vmem>>, vector<16xf32>,
      %mul3A_632 = arith.mulf %get3A_628, %get3A_631 : vector<16xf32>
      %get3A_633 = arith.index_cast %add3A_625 : i32 to index
      %get3A_634 = arith.constant 16 : index
      %get3A_635 = tpu.vector_load %arg13[%get3A_633, %get3A_634] {strides = array<i32>} : memref<512x64xf32, #tpu.memory_space<vmem>>, vector<16xf32>,
      %get3A_636 = arith.index_cast %add3A_625 : i32 to index
      %get3A_637 = arith.constant 16 : index
      %get3A_638 = tpu.vector_load %arg14[%get3A_636, %get3A_637] {strides = array<i32>} : memref<512x64xf32, #tpu.memory_space<vmem>>, vector<16xf32>,
      %mul3A_639 = arith.mulf %get3A_635, %get3A_638 : vector<16xf32>
      %add3A_640 = arith.addf %mul3A_632, %mul3A_639 : vector<16xf32>
      %get3A_641 = arith.index_cast %add3A_625 : i32 to index
      %get3A_642 = arith.constant 32 : index
      %get3A_643 = tpu.vector_load %arg13[%get3A_641, %get3A_642] {strides = array<i32>} : memref<512x64xf32, #tpu.memory_space<vmem>>, vector<16xf32>,
      %get3A_644 = arith.index_cast %add3A_625 : i32 to index
      %get3A_645 = arith.constant 32 : index
      %get3A_646 = tpu.vector_load %arg14[%get3A_644, %get3A_645] {strides = array<i32>} : memref<512x64xf32, #tpu.memory_space<vmem>>, vector<16xf32>,
      %mul3A_647 = arith.mulf %get3A_643, %get3A_646 : vector<16xf32>
      %add3A_648 = arith.addf %add3A_640, %mul3A_647 : vector<16xf32>
      %get3A_649 = arith.index_cast %add3A_625 : i32 to index
      %get3A_650 = arith.constant 48 : index
      %get3A_651 = tpu.vector_load %arg13[%get3A_649, %get3A_650] {strides = array<i32>} : memref<512x64xf32, #tpu.memory_space<vmem>>, vector<16xf32>,
      %get3A_652 = arith.index_cast %add3A_625 : i32 to index
      %get3A_653 = arith.constant 48 : index
      %get3A_654 = tpu.vector_load %arg14[%get3A_652, %get3A_653] {strides = array<i32>} : memref<512x64xf32, #tpu.memory_space<vmem>>, vector<16xf32>,
      %mul3A_655 = arith.mulf %get3A_651, %get3A_654 : vector<16xf32>
      %add3A_656 = arith.addf %add3A_648, %mul3A_655 : vector<16xf32>
      %add3A_657 = arith.constant 9 : i32
      %add3A_658 = vector.broadcast %add3A_657 : i32 to vector<16xi32>
      %add3A_659 = arith.addi %mul3A_289, %add3A_658 : vector<16xi32>
      tpu.vector_store_idx %arg18[%add3A_659], %add3A_656 : memref<272xf32, #tpu.memory_space<vmem>>[vector<16xi32>], vector<16xf32>,
      %add3A_660 = arith.constant 10 : i32
      %add3A_661 = arith.addi %mul3A_300, %add3A_660 : i32
      %get3A_662 = arith.index_cast %add3A_661 : i32 to index
      %get3A_663 = arith.constant 0 : index
      %get3A_664 = tpu.vector_load %arg13[%get3A_662, %get3A_663] {strides = array<i32>} : memref<512x64xf32, #tpu.memory_space<vmem>>, vector<16xf32>,
      %get3A_665 = arith.index_cast %add3A_661 : i32 to index
      %get3A_666 = arith.constant 0 : index
      %get3A_667 = tpu.vector_load %arg14[%get3A_665, %get3A_666] {strides = array<i32>} : memref<512x64xf32, #tpu.memory_space<vmem>>, vector<16xf32>,
      %mul3A_668 = arith.mulf %get3A_664, %get3A_667 : vector<16xf32>
      %get3A_669 = arith.index_cast %add3A_661 : i32 to index
      %get3A_670 = arith.constant 16 : index
      %get3A_671 = tpu.vector_load %arg13[%get3A_669, %get3A_670] {strides = array<i32>} : memref<512x64xf32, #tpu.memory_space<vmem>>, vector<16xf32>,
      %get3A_672 = arith.index_cast %add3A_661 : i32 to index
      %get3A_673 = arith.constant 16 : index
      %get3A_674 = tpu.vector_load %arg14[%get3A_672, %get3A_673] {strides = array<i32>} : memref<512x64xf32, #tpu.memory_space<vmem>>, vector<16xf32>,
      %mul3A_675 = arith.mulf %get3A_671, %get3A_674 : vector<16xf32>
      %add3A_676 = arith.addf %mul3A_668, %mul3A_675 : vector<16xf32>
      %get3A_677 = arith.index_cast %add3A_661 : i32 to index
      %get3A_678 = arith.constant 32 : index
      %get3A_679 = tpu.vector_load %arg13[%get3A_677, %get3A_678] {strides = array<i32>} : memref<512x64xf32, #tpu.memory_space<vmem>>, vector<16xf32>,
      %get3A_680 = arith.index_cast %add3A_661 : i32 to index
      %get3A_681 = arith.constant 32 : index
      %get3A_682 = tpu.vector_load %arg14[%get3A_680, %get3A_681] {strides = array<i32>} : memref<512x64xf32, #tpu.memory_space<vmem>>, vector<16xf32>,
      %mul3A_683 = arith.mulf %get3A_679, %get3A_682 : vector<16xf32>
      %add3A_684 = arith.addf %add3A_676, %mul3A_683 : vector<16xf32>
      %get3A_685 = arith.index_cast %add3A_661 : i32 to index
      %get3A_686 = arith.constant 48 : index
      %get3A_687 = tpu.vector_load %arg13[%get3A_685, %get3A_686] {strides = array<i32>} : memref<512x64xf32, #tpu.memory_space<vmem>>, vector<16xf32>,
      %get3A_688 = arith.index_cast %add3A_661 : i32 to index
      %get3A_689 = arith.constant 48 : index
      %get3A_690 = tpu.vector_load %arg14[%get3A_688, %get3A_689] {strides = array<i32>} : memref<512x64xf32, #tpu.memory_space<vmem>>, vector<16xf32>,
      %mul3A_691 = arith.mulf %get3A_687, %get3A_690 : vector<16xf32>
      %add3A_692 = arith.addf %add3A_684, %mul3A_691 : vector<16xf32>
      %add3A_693 = arith.constant 10 : i32
      %add3A_694 = vector.broadcast %add3A_693 : i32 to vector<16xi32>
      %add3A_695 = arith.addi %mul3A_289, %add3A_694 : vector<16xi32>
      tpu.vector_store_idx %arg18[%add3A_695], %add3A_692 : memref<272xf32, #tpu.memory_space<vmem>>[vector<16xi32>], vector<16xf32>,
      %add3A_696 = arith.constant 11 : i32
      %add3A_697 = arith.addi %mul3A_300, %add3A_696 : i32
      %get3A_698 = arith.index_cast %add3A_697 : i32 to index
      %get3A_699 = arith.constant 0 : index
      %get3A_700 = tpu.vector_load %arg13[%get3A_698, %get3A_699] {strides = array<i32>} : memref<512x64xf32, #tpu.memory_space<vmem>>, vector<16xf32>,
      %get3A_701 = arith.index_cast %add3A_697 : i32 to index
      %get3A_702 = arith.constant 0 : index
      %get3A_703 = tpu.vector_load %arg14[%get3A_701, %get3A_702] {strides = array<i32>} : memref<512x64xf32, #tpu.memory_space<vmem>>, vector<16xf32>,
      %mul3A_704 = arith.mulf %get3A_700, %get3A_703 : vector<16xf32>
      %get3A_705 = arith.index_cast %add3A_697 : i32 to index
      %get3A_706 = arith.constant 16 : index
      %get3A_707 = tpu.vector_load %arg13[%get3A_705, %get3A_706] {strides = array<i32>} : memref<512x64xf32, #tpu.memory_space<vmem>>, vector<16xf32>,
      %get3A_708 = arith.index_cast %add3A_697 : i32 to index
      %get3A_709 = arith.constant 16 : index
      %get3A_710 = tpu.vector_load %arg14[%get3A_708, %get3A_709] {strides = array<i32>} : memref<512x64xf32, #tpu.memory_space<vmem>>, vector<16xf32>,
      %mul3A_711 = arith.mulf %get3A_707, %get3A_710 : vector<16xf32>
      %add3A_712 = arith.addf %mul3A_704, %mul3A_711 : vector<16xf32>
      %get3A_713 = arith.index_cast %add3A_697 : i32 to index
      %get3A_714 = arith.constant 32 : index
      %get3A_715 = tpu.vector_load %arg13[%get3A_713, %get3A_714] {strides = array<i32>} : memref<512x64xf32, #tpu.memory_space<vmem>>, vector<16xf32>,
      %get3A_716 = arith.index_cast %add3A_697 : i32 to index
      %get3A_717 = arith.constant 32 : index
      %get3A_718 = tpu.vector_load %arg14[%get3A_716, %get3A_717] {strides = array<i32>} : memref<512x64xf32, #tpu.memory_space<vmem>>, vector<16xf32>,
      %mul3A_719 = arith.mulf %get3A_715, %get3A_718 : vector<16xf32>
      %add3A_720 = arith.addf %add3A_712, %mul3A_719 : vector<16xf32>
      %get3A_721 = arith.index_cast %add3A_697 : i32 to index
      %get3A_722 = arith.constant 48 : index
      %get3A_723 = tpu.vector_load %arg13[%get3A_721, %get3A_722] {strides = array<i32>} : memref<512x64xf32, #tpu.memory_space<vmem>>, vector<16xf32>,
      %get3A_724 = arith.index_cast %add3A_697 : i32 to index
      %get3A_725 = arith.constant 48 : index
      %get3A_726 = tpu.vector_load %arg14[%get3A_724, %get3A_725] {strides = array<i32>} : memref<512x64xf32, #tpu.memory_space<vmem>>, vector<16xf32>,
      %mul3A_727 = arith.mulf %get3A_723, %get3A_726 : vector<16xf32>
      %add3A_728 = arith.addf %add3A_720, %mul3A_727 : vector<16xf32>
      %add3A_729 = arith.constant 11 : i32
      %add3A_730 = vector.broadcast %add3A_729 : i32 to vector<16xi32>
      %add3A_731 = arith.addi %mul3A_289, %add3A_730 : vector<16xi32>
      tpu.vector_store_idx %arg18[%add3A_731], %add3A_728 : memref<272xf32, #tpu.memory_space<vmem>>[vector<16xi32>], vector<16xf32>,
      %add3A_732 = arith.constant 12 : i32
      %add3A_733 = arith.addi %mul3A_300, %add3A_732 : i32
      %get3A_734 = arith.index_cast %add3A_733 : i32 to index
      %get3A_735 = arith.constant 0 : index
      %get3A_736 = tpu.vector_load %arg13[%get3A_734, %get3A_735] {strides = array<i32>} : memref<512x64xf32, #tpu.memory_space<vmem>>, vector<16xf32>,
      %get3A_737 = arith.index_cast %add3A_733 : i32 to index
      %get3A_738 = arith.constant 0 : index
      %get3A_739 = tpu.vector_load %arg14[%get3A_737, %get3A_738] {strides = array<i32>} : memref<512x64xf32, #tpu.memory_space<vmem>>, vector<16xf32>,
      %mul3A_740 = arith.mulf %get3A_736, %get3A_739 : vector<16xf32>
      %get3A_741 = arith.index_cast %add3A_733 : i32 to index
      %get3A_742 = arith.constant 16 : index
      %get3A_743 = tpu.vector_load %arg13[%get3A_741, %get3A_742] {strides = array<i32>} : memref<512x64xf32, #tpu.memory_space<vmem>>, vector<16xf32>,
      %get3A_744 = arith.index_cast %add3A_733 : i32 to index
      %get3A_745 = arith.constant 16 : index
      %get3A_746 = tpu.vector_load %arg14[%get3A_744, %get3A_745] {strides = array<i32>} : memref<512x64xf32, #tpu.memory_space<vmem>>, vector<16xf32>,
      %mul3A_747 = arith.mulf %get3A_743, %get3A_746 : vector<16xf32>
      %add3A_748 = arith.addf %mul3A_740, %mul3A_747 : vector<16xf32>
      %get3A_749 = arith.index_cast %add3A_733 : i32 to index
      %get3A_750 = arith.constant 32 : index
      %get3A_751 = tpu.vector_load %arg13[%get3A_749, %get3A_750] {strides = array<i32>} : memref<512x64xf32, #tpu.memory_space<vmem>>, vector<16xf32>,
      %get3A_752 = arith.index_cast %add3A_733 : i32 to index
      %get3A_753 = arith.constant 32 : index
      %get3A_754 = tpu.vector_load %arg14[%get3A_752, %get3A_753] {strides = array<i32>} : memref<512x64xf32, #tpu.memory_space<vmem>>, vector<16xf32>,
      %mul3A_755 = arith.mulf %get3A_751, %get3A_754 : vector<16xf32>
      %add3A_756 = arith.addf %add3A_748, %mul3A_755 : vector<16xf32>
      %get3A_757 = arith.index_cast %add3A_733 : i32 to index
      %get3A_758 = arith.constant 48 : index
      %get3A_759 = tpu.vector_load %arg13[%get3A_757, %get3A_758] {strides = array<i32>} : memref<512x64xf32, #tpu.memory_space<vmem>>, vector<16xf32>,
      %get3A_760 = arith.index_cast %add3A_733 : i32 to index
      %get3A_761 = arith.constant 48 : index
      %get3A_762 = tpu.vector_load %arg14[%get3A_760, %get3A_761] {strides = array<i32>} : memref<512x64xf32, #tpu.memory_space<vmem>>, vector<16xf32>,
      %mul3A_763 = arith.mulf %get3A_759, %get3A_762 : vector<16xf32>
      %add3A_764 = arith.addf %add3A_756, %mul3A_763 : vector<16xf32>
      %add3A_765 = arith.constant 12 : i32
      %add3A_766 = vector.broadcast %add3A_765 : i32 to vector<16xi32>
      %add3A_767 = arith.addi %mul3A_289, %add3A_766 : vector<16xi32>
      tpu.vector_store_idx %arg18[%add3A_767], %add3A_764 : memref<272xf32, #tpu.memory_space<vmem>>[vector<16xi32>], vector<16xf32>,
      %add3A_768 = arith.constant 13 : i32
      %add3A_769 = arith.addi %mul3A_300, %add3A_768 : i32
      %get3A_770 = arith.index_cast %add3A_769 : i32 to index
      %get3A_771 = arith.constant 0 : index
      %get3A_772 = tpu.vector_load %arg13[%get3A_770, %get3A_771] {strides = array<i32>} : memref<512x64xf32, #tpu.memory_space<vmem>>, vector<16xf32>,
      %get3A_773 = arith.index_cast %add3A_769 : i32 to index
      %get3A_774 = arith.constant 0 : index
      %get3A_775 = tpu.vector_load %arg14[%get3A_773, %get3A_774] {strides = array<i32>} : memref<512x64xf32, #tpu.memory_space<vmem>>, vector<16xf32>,
      %mul3A_776 = arith.mulf %get3A_772, %get3A_775 : vector<16xf32>
      %get3A_777 = arith.index_cast %add3A_769 : i32 to index
      %get3A_778 = arith.constant 16 : index
      %get3A_779 = tpu.vector_load %arg13[%get3A_777, %get3A_778] {strides = array<i32>} : memref<512x64xf32, #tpu.memory_space<vmem>>, vector<16xf32>,
      %get3A_780 = arith.index_cast %add3A_769 : i32 to index
      %get3A_781 = arith.constant 16 : index
      %get3A_782 = tpu.vector_load %arg14[%get3A_780, %get3A_781] {strides = array<i32>} : memref<512x64xf32, #tpu.memory_space<vmem>>, vector<16xf32>,
      %mul3A_783 = arith.mulf %get3A_779, %get3A_782 : vector<16xf32>
      %add3A_784 = arith.addf %mul3A_776, %mul3A_783 : vector<16xf32>
      %get3A_785 = arith.index_cast %add3A_769 : i32 to index
      %get3A_786 = arith.constant 32 : index
      %get3A_787 = tpu.vector_load %arg13[%get3A_785, %get3A_786] {strides = array<i32>} : memref<512x64xf32, #tpu.memory_space<vmem>>, vector<16xf32>,
      %get3A_788 = arith.index_cast %add3A_769 : i32 to index
      %get3A_789 = arith.constant 32 : index
      %get3A_790 = tpu.vector_load %arg14[%get3A_788, %get3A_789] {strides = array<i32>} : memref<512x64xf32, #tpu.memory_space<vmem>>, vector<16xf32>,
      %mul3A_791 = arith.mulf %get3A_787, %get3A_790 : vector<16xf32>
      %add3A_792 = arith.addf %add3A_784, %mul3A_791 : vector<16xf32>
      %get3A_793 = arith.index_cast %add3A_769 : i32 to index
      %get3A_794 = arith.constant 48 : index
      %get3A_795 = tpu.vector_load %arg13[%get3A_793, %get3A_794] {strides = array<i32>} : memref<512x64xf32, #tpu.memory_space<vmem>>, vector<16xf32>,
      %get3A_796 = arith.index_cast %add3A_769 : i32 to index
      %get3A_797 = arith.constant 48 : index
      %get3A_798 = tpu.vector_load %arg14[%get3A_796, %get3A_797] {strides = array<i32>} : memref<512x64xf32, #tpu.memory_space<vmem>>, vector<16xf32>,
      %mul3A_799 = arith.mulf %get3A_795, %get3A_798 : vector<16xf32>
      %add3A_800 = arith.addf %add3A_792, %mul3A_799 : vector<16xf32>
      %add3A_801 = arith.constant 13 : i32
      %add3A_802 = vector.broadcast %add3A_801 : i32 to vector<16xi32>
      %add3A_803 = arith.addi %mul3A_289, %add3A_802 : vector<16xi32>
      tpu.vector_store_idx %arg18[%add3A_803], %add3A_800 : memref<272xf32, #tpu.memory_space<vmem>>[vector<16xi32>], vector<16xf32>,
      %add3A_804 = arith.constant 14 : i32
      %add3A_805 = arith.addi %mul3A_300, %add3A_804 : i32
      %get3A_806 = arith.index_cast %add3A_805 : i32 to index
      %get3A_807 = arith.constant 0 : index
      %get3A_808 = tpu.vector_load %arg13[%get3A_806, %get3A_807] {strides = array<i32>} : memref<512x64xf32, #tpu.memory_space<vmem>>, vector<16xf32>,
      %get3A_809 = arith.index_cast %add3A_805 : i32 to index
      %get3A_810 = arith.constant 0 : index
      %get3A_811 = tpu.vector_load %arg14[%get3A_809, %get3A_810] {strides = array<i32>} : memref<512x64xf32, #tpu.memory_space<vmem>>, vector<16xf32>,
      %mul3A_812 = arith.mulf %get3A_808, %get3A_811 : vector<16xf32>
      %get3A_813 = arith.index_cast %add3A_805 : i32 to index
      %get3A_814 = arith.constant 16 : index
      %get3A_815 = tpu.vector_load %arg13[%get3A_813, %get3A_814] {strides = array<i32>} : memref<512x64xf32, #tpu.memory_space<vmem>>, vector<16xf32>,
      %get3A_816 = arith.index_cast %add3A_805 : i32 to index
      %get3A_817 = arith.constant 16 : index
      %get3A_818 = tpu.vector_load %arg14[%get3A_816, %get3A_817] {strides = array<i32>} : memref<512x64xf32, #tpu.memory_space<vmem>>, vector<16xf32>,
      %mul3A_819 = arith.mulf %get3A_815, %get3A_818 : vector<16xf32>
      %add3A_820 = arith.addf %mul3A_812, %mul3A_819 : vector<16xf32>
      %get3A_821 = arith.index_cast %add3A_805 : i32 to index
      %get3A_822 = arith.constant 32 : index
      %get3A_823 = tpu.vector_load %arg13[%get3A_821, %get3A_822] {strides = array<i32>} : memref<512x64xf32, #tpu.memory_space<vmem>>, vector<16xf32>,
      %get3A_824 = arith.index_cast %add3A_805 : i32 to index
      %get3A_825 = arith.constant 32 : index
      %get3A_826 = tpu.vector_load %arg14[%get3A_824, %get3A_825] {strides = array<i32>} : memref<512x64xf32, #tpu.memory_space<vmem>>, vector<16xf32>,
      %mul3A_827 = arith.mulf %get3A_823, %get3A_826 : vector<16xf32>
      %add3A_828 = arith.addf %add3A_820, %mul3A_827 : vector<16xf32>
      %get3A_829 = arith.index_cast %add3A_805 : i32 to index
      %get3A_830 = arith.constant 48 : index
      %get3A_831 = tpu.vector_load %arg13[%get3A_829, %get3A_830] {strides = array<i32>} : memref<512x64xf32, #tpu.memory_space<vmem>>, vector<16xf32>,
      %get3A_832 = arith.index_cast %add3A_805 : i32 to index
      %get3A_833 = arith.constant 48 : index
      %get3A_834 = tpu.vector_load %arg14[%get3A_832, %get3A_833] {strides = array<i32>} : memref<512x64xf32, #tpu.memory_space<vmem>>, vector<16xf32>,
      %mul3A_835 = arith.mulf %get3A_831, %get3A_834 : vector<16xf32>
      %add3A_836 = arith.addf %add3A_828, %mul3A_835 : vector<16xf32>
      %add3A_837 = arith.constant 14 : i32
      %add3A_838 = vector.broadcast %add3A_837 : i32 to vector<16xi32>
      %add3A_839 = arith.addi %mul3A_289, %add3A_838 : vector<16xi32>
      tpu.vector_store_idx %arg18[%add3A_839], %add3A_836 : memref<272xf32, #tpu.memory_space<vmem>>[vector<16xi32>], vector<16xf32>,
      %add3A_840 = arith.constant 15 : i32
      %add3A_841 = arith.addi %mul3A_300, %add3A_840 : i32
      %get3A_842 = arith.index_cast %add3A_841 : i32 to index
      %get3A_843 = arith.constant 0 : index
      %get3A_844 = tpu.vector_load %arg13[%get3A_842, %get3A_843] {strides = array<i32>} : memref<512x64xf32, #tpu.memory_space<vmem>>, vector<16xf32>,
      %get3A_845 = arith.index_cast %add3A_841 : i32 to index
      %get3A_846 = arith.constant 0 : index
      %get3A_847 = tpu.vector_load %arg14[%get3A_845, %get3A_846] {strides = array<i32>} : memref<512x64xf32, #tpu.memory_space<vmem>>, vector<16xf32>,
      %mul3A_848 = arith.mulf %get3A_844, %get3A_847 : vector<16xf32>
      %get3A_849 = arith.index_cast %add3A_841 : i32 to index
      %get3A_850 = arith.constant 16 : index
      %get3A_851 = tpu.vector_load %arg13[%get3A_849, %get3A_850] {strides = array<i32>} : memref<512x64xf32, #tpu.memory_space<vmem>>, vector<16xf32>,
      %get3A_852 = arith.index_cast %add3A_841 : i32 to index
      %get3A_853 = arith.constant 16 : index
      %get3A_854 = tpu.vector_load %arg14[%get3A_852, %get3A_853] {strides = array<i32>} : memref<512x64xf32, #tpu.memory_space<vmem>>, vector<16xf32>,
      %mul3A_855 = arith.mulf %get3A_851, %get3A_854 : vector<16xf32>
      %add3A_856 = arith.addf %mul3A_848, %mul3A_855 : vector<16xf32>
      %get3A_857 = arith.index_cast %add3A_841 : i32 to index
      %get3A_858 = arith.constant 32 : index
      %get3A_859 = tpu.vector_load %arg13[%get3A_857, %get3A_858] {strides = array<i32>} : memref<512x64xf32, #tpu.memory_space<vmem>>, vector<16xf32>,
      %get3A_860 = arith.index_cast %add3A_841 : i32 to index
      %get3A_861 = arith.constant 32 : index
      %get3A_862 = tpu.vector_load %arg14[%get3A_860, %get3A_861] {strides = array<i32>} : memref<512x64xf32, #tpu.memory_space<vmem>>, vector<16xf32>,
      %mul3A_863 = arith.mulf %get3A_859, %get3A_862 : vector<16xf32>
      %add3A_864 = arith.addf %add3A_856, %mul3A_863 : vector<16xf32>
      %get3A_865 = arith.index_cast %add3A_841 : i32 to index
      %get3A_866 = arith.constant 48 : index
      %get3A_867 = tpu.vector_load %arg13[%get3A_865, %get3A_866] {strides = array<i32>} : memref<512x64xf32, #tpu.memory_space<vmem>>, vector<16xf32>,
      %get3A_868 = arith.index_cast %add3A_841 : i32 to index
      %get3A_869 = arith.constant 48 : index
      %get3A_870 = tpu.vector_load %arg14[%get3A_868, %get3A_869] {strides = array<i32>} : memref<512x64xf32, #tpu.memory_space<vmem>>, vector<16xf32>,
      %mul3A_871 = arith.mulf %get3A_867, %get3A_870 : vector<16xf32>
      %add3A_872 = arith.addf %add3A_864, %mul3A_871 : vector<16xf32>
      %add3A_873 = arith.constant 15 : i32
      %add3A_874 = vector.broadcast %add3A_873 : i32 to vector<16xi32>
      %add3A_875 = arith.addi %mul3A_289, %add3A_874 : vector<16xi32>
      tpu.vector_store_idx %arg18[%add3A_875], %add3A_872 : memref<272xf32, #tpu.memory_space<vmem>>[vector<16xi32>], vector<16xf32>,
      %get3A_876 = arith.constant 0 : index
      %get3A_877 = tpu.vector_load %arg18[%get3A_876] {strides = array<i32>} : memref<272xf32, #tpu.memory_space<vmem>>, vector<16xf32>,
      %get3A_878 = arith.constant 17 : index
      %get3A_879 = tpu.vector_load %arg18[%get3A_878] {strides = array<i32>} : memref<272xf32, #tpu.memory_space<vmem>>, vector<16xf32>,
      %add3A_880 = arith.addf %get3A_877, %get3A_879 : vector<16xf32>
      %get3A_881 = arith.constant 34 : index
      %get3A_882 = tpu.vector_load %arg18[%get3A_881] {strides = array<i32>} : memref<272xf32, #tpu.memory_space<vmem>>, vector<16xf32>,
      %add3A_883 = arith.addf %add3A_880, %get3A_882 : vector<16xf32>
      %get3A_884 = arith.constant 51 : index
      %get3A_885 = tpu.vector_load %arg18[%get3A_884] {strides = array<i32>} : memref<272xf32, #tpu.memory_space<vmem>>, vector<16xf32>,
      %add3A_886 = arith.addf %add3A_883, %get3A_885 : vector<16xf32>
      %get3A_887 = arith.constant 68 : index
      %get3A_888 = tpu.vector_load %arg18[%get3A_887] {strides = array<i32>} : memref<272xf32, #tpu.memory_space<vmem>>, vector<16xf32>,
      %add3A_889 = arith.addf %add3A_886, %get3A_888 : vector<16xf32>
      %get3A_890 = arith.constant 85 : index
      %get3A_891 = tpu.vector_load %arg18[%get3A_890] {strides = array<i32>} : memref<272xf32, #tpu.memory_space<vmem>>, vector<16xf32>,
      %add3A_892 = arith.addf %add3A_889, %get3A_891 : vector<16xf32>
      %get3A_893 = arith.constant 102 : index
      %get3A_894 = tpu.vector_load %arg18[%get3A_893] {strides = array<i32>} : memref<272xf32, #tpu.memory_space<vmem>>, vector<16xf32>,
      %add3A_895 = arith.addf %add3A_892, %get3A_894 : vector<16xf32>
      %get3A_896 = arith.constant 119 : index
      %get3A_897 = tpu.vector_load %arg18[%get3A_896] {strides = array<i32>} : memref<272xf32, #tpu.memory_space<vmem>>, vector<16xf32>,
      %add3A_898 = arith.addf %add3A_895, %get3A_897 : vector<16xf32>
      %get3A_899 = arith.constant 136 : index
      %get3A_900 = tpu.vector_load %arg18[%get3A_899] {strides = array<i32>} : memref<272xf32, #tpu.memory_space<vmem>>, vector<16xf32>,
      %add3A_901 = arith.addf %add3A_898, %get3A_900 : vector<16xf32>
      %get3A_902 = arith.constant 153 : index
      %get3A_903 = tpu.vector_load %arg18[%get3A_902] {strides = array<i32>} : memref<272xf32, #tpu.memory_space<vmem>>, vector<16xf32>,
      %add3A_904 = arith.addf %add3A_901, %get3A_903 : vector<16xf32>
      %get3A_905 = arith.constant 170 : index
      %get3A_906 = tpu.vector_load %arg18[%get3A_905] {strides = array<i32>} : memref<272xf32, #tpu.memory_space<vmem>>, vector<16xf32>,
      %add3A_907 = arith.addf %add3A_904, %get3A_906 : vector<16xf32>
      %get3A_908 = arith.constant 187 : index
      %get3A_909 = tpu.vector_load %arg18[%get3A_908] {strides = array<i32>} : memref<272xf32, #tpu.memory_space<vmem>>, vector<16xf32>,
      %add3A_910 = arith.addf %add3A_907, %get3A_909 : vector<16xf32>
      %get3A_911 = arith.constant 204 : index
      %get3A_912 = tpu.vector_load %arg18[%get3A_911] {strides = array<i32>} : memref<272xf32, #tpu.memory_space<vmem>>, vector<16xf32>,
      %add3A_913 = arith.addf %add3A_910, %get3A_912 : vector<16xf32>
      %get3A_914 = arith.constant 221 : index
      %get3A_915 = tpu.vector_load %arg18[%get3A_914] {strides = array<i32>} : memref<272xf32, #tpu.memory_space<vmem>>, vector<16xf32>,
      %add3A_916 = arith.addf %add3A_913, %get3A_915 : vector<16xf32>
      %get3A_917 = arith.constant 238 : index
      %get3A_918 = tpu.vector_load %arg18[%get3A_917] {strides = array<i32>} : memref<272xf32, #tpu.memory_space<vmem>>, vector<16xf32>,
      %add3A_919 = arith.addf %add3A_916, %get3A_918 : vector<16xf32>
      %get3A_920 = arith.constant 255 : index
      %get3A_921 = tpu.vector_load %arg18[%get3A_920] {strides = array<i32>} : memref<272xf32, #tpu.memory_space<vmem>>, vector<16xf32>,
      %add3A_922 = arith.addf %add3A_919, %get3A_921 : vector<16xf32>
      %get3A_923 = arith.index_cast %mul3A_300 : i32 to index
      %get3A_924 = tpu.vector_load %arg12[%get3A_923] {strides = array<i32>} : memref<512xf32, #tpu.memory_space<vmem>>, vector<16xf32>,
      %get3A_925 = arith.index_cast %mul3A_300 : i32 to index
      %get3A_926 = tpu.vector_load %arg15[%get3A_925] {strides = array<i32>} : memref<512xf32, #tpu.memory_space<vmem>>, vector<16xf32>,
      %get3A_927 = arith.index_cast %mul3A_300 : i32 to index
      %get3A_928 = tpu.vector_load %arg16[%get3A_927] {strides = array<i32>} : memref<512xf32, #tpu.memory_space<vmem>>, vector<16xf32>,
      %bitcast_convert_type3A = tpu.bitcast %get3A_924 : vector<16xf32> -> vector<16xi32>
      %shift_right_logical3A = arith.constant 23 : i32
      %shift_right_logical3A_929 = vector.broadcast %shift_right_logical3A : i32 to vector<16xi32>
      %shift_right_logical3A_930 = arith.shrui %bitcast_convert_type3A, %shift_right_logical3A_929 : vector<16xi32>
      %sub3A = arith.constant 127 : i32
      %sub3A_931 = vector.broadcast %sub3A : i32 to vector<16xi32>
      %sub3A_932 = arith.subi %shift_right_logical3A_930, %sub3A_931 : vector<16xi32>
      %and3A = arith.constant 8388607 : i32
      %and3A_933 = vector.broadcast %and3A : i32 to vector<16xi32>
      %and3A_934 = arith.andi %bitcast_convert_type3A, %and3A_933 : vector<16xi32>
      %or3A = arith.constant 1065353216 : i32
      %or3A_935 = vector.broadcast %or3A : i32 to vector<16xi32>
      %or3A_936 = arith.ori %and3A_934, %or3A_935 : vector<16xi32>
      %bitcast_convert_type3A_937 = tpu.bitcast %or3A_936 : vector<16xi32> -> vector<16xf32>
      %gt3A = arith.constant 1.41421354 : f32
      %gt3A_938 = vector.broadcast %gt3A : f32 to vector<16xf32>
      %gt3A_939 = arith.cmpf ogt, %bitcast_convert_type3A_937, %gt3A_938 : vector<16xf32>
      %mul3A_940 = arith.constant 5.000000e-01 : f32
      %mul3A_941 = vector.broadcast %mul3A_940 : f32 to vector<16xf32>
      %mul3A_942 = arith.mulf %mul3A_941, %bitcast_convert_type3A_937 : vector<16xf32>
      %select_n3A = arith.select %gt3A_939, %mul3A_942, %bitcast_convert_type3A_937 : vector<16xi1>, vector<16xf32>
      %convert_element_type3A = arith.sitofp %sub3A_932 : vector<16xi32> to vector<16xf32>
      %jit3A = arith.constant 1.000000e+00 : f32
      %jit3A_943 = arith.constant 0.000000e+00 : f32
      %broadcast_in_dim3A_944 = vector.broadcast %jit3A : f32 to vector<16xf32>
      %broadcast_in_dim3A_945 = vector.broadcast %jit3A_943 : f32 to vector<16xf32>
      %select_n3A_946 = arith.select %gt3A_939, %broadcast_in_dim3A_944, %broadcast_in_dim3A_945 : vector<16xi1>, vector<16xf32>
      %add3A_947 = arith.addf %convert_element_type3A, %select_n3A_946 : vector<16xf32>
      %sub3A_948 = arith.constant 1.000000e+00 : f32
      %sub3A_949 = vector.broadcast %sub3A_948 : f32 to vector<16xf32>
      %sub3A_950 = arith.subf %select_n3A, %sub3A_949 : vector<16xf32>
      %add3A_951 = arith.constant 1.000000e+00 : f32
      %add3A_952 = vector.broadcast %add3A_951 : f32 to vector<16xf32>
      %add3A_953 = arith.addf %select_n3A, %add3A_952 : vector<16xf32>
      %div3A = arith.divf %sub3A_950, %add3A_953 : vector<16xf32>
      %mul3A_954 = arith.mulf %div3A, %div3A : vector<16xf32>
      %mul3A_955 = arith.constant 2.000000e+00 : f32
      %mul3A_956 = vector.broadcast %mul3A_955 : f32 to vector<16xf32>
      %mul3A_957 = arith.mulf %mul3A_956, %div3A : vector<16xf32>
      %div3A_958 = arith.constant 9.000000e+00 : f32
      %div3A_959 = vector.broadcast %div3A_958 : f32 to vector<16xf32>
      %div3A_960 = arith.divf %mul3A_954, %div3A_959 : vector<16xf32>
      %add3A_961 = arith.constant 0.142857149 : f32
      %add3A_962 = vector.broadcast %add3A_961 : f32 to vector<16xf32>
      %add3A_963 = arith.addf %add3A_962, %div3A_960 : vector<16xf32>
      %mul3A_964 = arith.mulf %mul3A_954, %add3A_963 : vector<16xf32>
      %add3A_965 = arith.constant 2.000000e-01 : f32
      %add3A_966 = vector.broadcast %add3A_965 : f32 to vector<16xf32>
      %add3A_967 = arith.addf %add3A_966, %mul3A_964 : vector<16xf32>
      %mul3A_968 = arith.mulf %mul3A_954, %add3A_967 : vector<16xf32>
      %add3A_969 = arith.constant 0.333333343 : f32
      %add3A_970 = vector.broadcast %add3A_969 : f32 to vector<16xf32>
      %add3A_971 = arith.addf %add3A_970, %mul3A_968 : vector<16xf32>
      %mul3A_972 = arith.mulf %mul3A_954, %add3A_971 : vector<16xf32>
      %add3A_973 = arith.constant 1.000000e+00 : f32
      %add3A_974 = vector.broadcast %add3A_973 : f32 to vector<16xf32>
      %add3A_975 = arith.addf %add3A_974, %mul3A_972 : vector<16xf32>
      %mul3A_976 = arith.mulf %mul3A_957, %add3A_975 : vector<16xf32>
      %mul3A_977 = arith.constant 0.693147182 : f32
      %mul3A_978 = vector.broadcast %mul3A_977 : f32 to vector<16xf32>
      %mul3A_979 = arith.mulf %add3A_947, %mul3A_978 : vector<16xf32>
      %add3A_980 = arith.addf %mul3A_979, %mul3A_976 : vector<16xf32>
      %sub3A_981 = arith.constant 4.60517025 : f32
      %sub3A_982 = vector.broadcast %sub3A_981 : f32 to vector<16xf32>
      %sub3A_983 = arith.subf %add3A_980, %sub3A_982 : vector<16xf32>
      %mul3A_984 = arith.constant 7.500000e-01 : f32
      %mul3A_985 = vector.broadcast %mul3A_984 : f32 to vector<16xf32>
      %mul3A_986 = arith.mulf %mul3A_985, %sub3A_983 : vector<16xf32>
      %exp3A = math.exp %mul3A_986 : vector<16xf32>
      %min3A = arith.constant 1.000000e+00 : f32
      %min3A_987 = vector.broadcast %min3A : f32 to vector<16xf32>
      %min3A_988 = arith.minimumf %exp3A, %min3A_987 : vector<16xf32>
      %add3A_989 = arith.addf %add3A_922, %get3A_926 : vector<16xf32>
      %add3A_990 = arith.addf %add3A_989, %get3A_928 : vector<16xf32>
      %sub3A_991 = arith.subf %add3A_990, %add3A_980 : vector<16xf32>
      %mul3A_992 = arith.mulf %min3A_988, %sub3A_991 : vector<16xf32>
      %mul3A_993 = arith.mulf %mul3A_992, %sub3A_991 : vector<16xf32>
      %add3A_994 = arith.addf %scan3A_298, %mul3A_993 : vector<16xf32>
      scf.yield %add3A_994 : vector<16xf32>
    }
    %scan3A_295 = arith.constant 32 : i32
    %swap3A = arith.constant 0 : index
    %swap3A_296 = tpu.vector_load %arg17[%swap3A] {strides = array<i32>} : memref<16xf32, #tpu.memory_space<vmem>>, vector<16xf32>,
    tpu.vector_store %arg17[%swap3A], %scan3A_294 {strides = array<i32>} : memref<16xf32, #tpu.memory_space<vmem>>, vector<16xf32>,
    "tpu.region"() ({
      %run_scoped3A = tpu.sem_alloc : memref<!tpu.dma_semaphore, #tpu.memory_space<semaphore_mem>>
      %dma_start3A_297 = arith.constant 0 : i32
      %dma_start3A_298 = tpu.memref_slice %arg9[%add3A, %dma_start3A_297] : memref<32x16xf32, #tpu.memory_space<hbm>> -> memref<1x16xf32, #tpu.memory_space<hbm>>
      %dma_start3A_299 = tpu.memref_squeeze %dma_start3A_298 : memref<1x16xf32, #tpu.memory_space<hbm>> -> memref<16xf32, #tpu.memory_space<hbm>>
      %dma_start3A_300 = arith.constant 0 : i32
      %dma_start3A_301 = tpu.memref_slice %arg9[%add3A, %dma_start3A_300] : memref<32x16xf32, #tpu.memory_space<hbm>> -> memref<1x16xf32, #tpu.memory_space<hbm>>
      %dma_start3A_302 = tpu.memref_squeeze %dma_start3A_301 : memref<1x16xf32, #tpu.memory_space<hbm>> -> memref<16xf32, #tpu.memory_space<hbm>>
      tpu.enqueue_dma source(%arg17 : memref<16xf32, #tpu.memory_space<vmem>>) target(%dma_start3A_302 : memref<16xf32, #tpu.memory_space<hbm>>) target_semaphore(%run_scoped3A : memref<!tpu.dma_semaphore, #tpu.memory_space<semaphore_mem>>)
      %dma_wait3A_303 = arith.constant 0 : i32
      %dma_wait3A_304 = tpu.memref_slice %arg9[%add3A, %dma_wait3A_303] : memref<32x16xf32, #tpu.memory_space<hbm>> -> memref<1x16xf32, #tpu.memory_space<hbm>>
      %dma_wait3A_305 = tpu.memref_squeeze %dma_wait3A_304 : memref<1x16xf32, #tpu.memory_space<hbm>> -> memref<16xf32, #tpu.memory_space<hbm>>
      %dma_wait3A_306 = arith.constant 0 : i32
      %dma_wait3A_307 = tpu.memref_slice %arg9[%add3A, %dma_wait3A_306] : memref<32x16xf32, #tpu.memory_space<hbm>> -> memref<1x16xf32, #tpu.memory_space<hbm>>
      %dma_wait3A_308 = tpu.memref_squeeze %dma_wait3A_307 : memref<1x16xf32, #tpu.memory_space<hbm>> -> memref<16xf32, #tpu.memory_space<hbm>>
      tpu.wait_dma2 semaphore(%run_scoped3A : memref<!tpu.dma_semaphore, #tpu.memory_space<semaphore_mem>>) src(%arg17 : memref<16xf32, #tpu.memory_space<vmem>>) dst(%dma_wait3A_308 : memref<16xf32, #tpu.memory_space<hbm>>)
      tpu.yield
    }) : () -> ()
    return
  }
}

module attributes {stable_mosaic.version = 14 : i64} {
  func.func @_tc_mean(%arg0: memref<32x16xf32, #tpu.memory_space<vmem>>, %arg1: memref<1x1xf32, #tpu.memory_space<vmem>>) attributes {dimension_semantics = [], scalar_prefetch = 0 : i64, scratch_operands = 0 : i64, tpu.core_type = #tpu.core_type<tc>} {
    %get3A = arith.constant 0 : index
    %get3A_0 = arith.constant 0 : index
    %get3A_1 = vector.load %arg0[%get3A, %get3A_0] : memref<32x16xf32, #tpu.memory_space<vmem>>, vector<32x16xf32>
    %reduce_sum3A = vector.shape_cast %get3A_1 : vector<32x16xf32> to vector<1x32x16xf32>
    %reduce_sum3A_2 = arith.constant dense<0.000000e+00> : vector<1xf32>
    %reduce_sum3A_3 = vector.multi_reduction <add>, %reduce_sum3A, %reduce_sum3A_2 [1, 2] : vector<1x32x16xf32> to vector<1xf32>
    %reduce_sum3A_4 = vector.shape_cast %reduce_sum3A_3 : vector<1xf32> to vector<1x1x1xf32>
    %reduce_sum3A_5 = vector.extract %reduce_sum3A_4[0, 0, 0] : f32 from vector<1x1x1xf32>
    %broadcast_in_dim3A = vector.broadcast %reduce_sum3A_5 : f32 to vector<1x1xf32>
    %mul3A = arith.constant 6.10351563E-5 : f32
    %mul3A_6 = vector.broadcast %mul3A : f32 to vector<1x1xf32>
    %mul3A_7 = arith.mulf %broadcast_in_dim3A, %mul3A_6 : vector<1x1xf32>
    %swap3A = arith.constant 0 : index
    %swap3A_8 = arith.constant 0 : index
    %swap3A_9 = vector.load %arg1[%swap3A, %swap3A_8] : memref<1x1xf32, #tpu.memory_space<vmem>>, vector<1x1xf32>
    tpu.vector_store %arg1[%swap3A, %swap3A_8], %mul3A_7 {strides = array<i32>} : memref<1x1xf32, #tpu.memory_space<vmem>>, vector<1x1xf32>,
    return
  }
}

</mosaic_0001>

<sc_bundles>
// kernel: kernel.4.cloned.1.call-start
scs
__scs_entry_jumppad:
0x0: {  	(pc) =	sbr.rel $0x88, $3  }
0x1: {  	(tag) =	ssettag $0x0;
	lr =	simm.s32 $0x1  }
0x2: {  	[smem:$0x3F9A] =	sst lr;
	_ =	strace $0xD0000000  }
0x3: {  	_ = 	snop  }
0x4: {  	_ = 	snop  }
0x5: {  	_ = 	snop  }
0x6: {  	_ = 	snop  }
0x7: {  	_ = 	snop  }
__scs_overlays_trampoline_lowered:
0x8: {  	[smem:$0x3FA9] =	sst s0  }
0x9: {  	[smem:$0x3FAA] =	sst s1  }
0xa: {  	[smem:$0x3FAB] =	sst s2  }
0xb: {  	[smem:$0x3FAC] =	sst s3  }
0xc: {  	[smem:$0x3FAD] =	sst s4  }
0xd: {  	[smem:$0x3FAE] =	sst s5  }
0xe: {  	[smem:$0x3FAF] =	sst s6  }
0xf: {  	[smem:$0x3FB0] =	sst s7  }
0x10: {  	[smem:$0x3FB1] =	sst s8  }
0x11: {  	[smem:$0x3FB2] =	sst s9;
	s0 =	simm.s32 @!p0 $0x0  }
0x12: {  	s1 =	sld [smem:$0x3F98];
	s0 =	simm.s32 @p0 $0x1  }
0x13: {  	[smem:$0x3FB3] =	sst s0;
	s0 =	simm.s32 @!p1 $0x0  }
0x14: {  	s2 =	sld [smem:$0x3F97];
	s0 =	simm.s32 @p1 $0x1  }
0x15: {  	[smem:$0x3FB4] =	sst s0;
	s0 =	simm.s32 @!p2 $0x0  }
0x16: {  	s3 =	sld [smem:$0x3FDB];
	s0 =	simm.s32 @p2 $0x1  }
0x17: {  	s4 =	simm.s32 $0x1BF5;
	[smem:$0x3FB6] =	sst s0  }
0x18: {  	s0 =	sld [smem:$0x3F99];
	_ =	swait.ge [sflag:s4], $0x0  }
0x19: {  	s7 =	sld [smem:$0x3F9A]  }
0x1a: {  	s8 =	sadd.s32 $0xFFFFE003, lr  }
0x1b: {  	s9 =	sadd.s32 $0xFFFFFEF7, lr;
	s5 =	simm.s32 $0xFFFFFFFF;
	p2 =	slt.u32 s8, $0xFFFFF086  }
0x1c: {  	p1 =	slt.u32 s9, $0xF7A;
	s5 =	simm.s32 @!p2 $0x0  }
0x1d: {  	s5 =	simm.s32 @p1 $0x1;
	p0 =	seq.s32 s7, s2  }
0x1e: {  	s7 =	smul.u32 @!p0 $0xF7A, s2;
	p2 =	seq.s32 @!p0 s5, $0x0  }
0x1f: {  	s9 =	smul.u32 $0xF7A, s1;
	s8 =	simm.s32 @!p0 $0x1BF5;
	p2 =	por !p2, p0  }
0x20: {  	[sflag:s8] =	ssyncset.s32 @!p0 $0xFFFFF086;
	s6 =	sadd.s32 @!p0 s3, s7;
	s7 =	simm.s32 @!p0 $0x108  }
0x21: {  	s3 =	sadd.s32 s3, s9;
	s6 =	sadd.s32 @!p0 $0x88, s6;
	s7 =	simm.s32 @p2 $0x1082  }
0x22: {  	[simem:s7], [sflag:s8] =	dma.local @!p0 [hbm:s6], $0xF7A  }
0x23: {  	s9 =	sor.u32 $0xD0000000, s2;
	s6 =	simm.s32 $0x108;
	_ =	swait.ge @!p0 [sflag:s8], $0x0  }
0x24: {  	s3 =	sadd.s32 $0x88, s3;
	s6 =	simm.s32 @!p1 $0x1082;
	[sflag:s4] =	ssyncset.s32 $0xFFFFF086  }
0x25: {  	[simem:s6], [sflag:s4] =	dma.local [hbm:s3], $0xF7A  }
0x26: {  	[smem:$0x3F9A] =	sst s1;
	(tag) =	ssettag s2;
	_ =	strace s9  }
0x27: {  	s1 =	sld [smem:$0x3FAA]  }
0x28: {  	s2 =	sld [smem:$0x3FAB]  }
0x29: {  	s4 =	sld [smem:$0x3FAD]  }
0x2a: {  	p0 =	seq.s32 s5, $0x0;
	s5 =	sld [smem:$0x3FAE]  }
0x2b: {  	s6 =	sld [smem:$0x3FAF]  }
0x2c: {  	s7 =	sld [smem:$0x3FB0]  }
0x2d: {  	s3 =	simm.s32 $0x108;
	s8 =	sld [smem:$0x3FB1]  }
0x2e: {  	s3 =	simm.s32 @!p0 $0x1082;
	s9 =	sld [smem:$0x3FB2]  }
0x2f: {  	lr =	sadd.s32 s0, s3;
	s0 =	sld [smem:$0x3FA9]  }
0x30: {  	s3 =	sld [smem:$0x3FAC]  }
0x31: {  	[smem:$0x3FB5] =	sst s10  }
0x32: {  	s10 =	sld [smem:$0x3FB3];
	_ =	sdelay $0x3  }
0x33: {  	p0 =	seq.s32 s10, $0x1;
	s10 =	sld [smem:$0x3FB5];
	_ =	sdelay $0x3  }
0x34: {  	[smem:$0x3FB5] =	sst s10  }
0x35: {  	s10 =	sld [smem:$0x3FB4];
	_ =	sdelay $0x3  }
0x36: {  	p1 =	seq.s32 s10, $0x1;
	s10 =	sld [smem:$0x3FB5];
	_ =	sdelay $0x3  }
0x37: {  	[smem:$0x3FB5] =	sst s10  }
0x38: {  	s10 =	sld [smem:$0x3FB6]  }
0x39: {  	_ = 	snop;
	(pc) =	sbr.ind lr, $3  }
0x3a: {  	_ = 	snop  }
0x3b: {  	_ = 	snop  }
0x3c: {  	p2 =	seq.s32 s10, $0x1;
	s10 =	sld [smem:$0x3FB5]  }
0x3d: {  	_ =	shalt  }
0x3e: {  	_ =	shalt  }
0x3f: {  	_ =	shalt  }
0x40: {  	_ =	shalt  }
0x41: {  	_ =	shalt  }
0x42: {  	_ =	shalt  }
0x43: {  	_ =	shalt  }
0x44: {  	_ =	shalt  }
0x45: {  	_ =	shalt  }
0x46: {  	_ =	shalt  }
0x47: {  	_ =	shalt  }
0x48: {  	_ =	shalt  }
0x49: {  	_ =	shalt  }
0x4a: {  	_ =	shalt  }
0x4b: {  	_ =	shalt  }
0x4c: {  	_ =	shalt  }
0x4d: {  	_ =	shalt  }
0x4e: {  	_ =	shalt  }
0x4f: {  	_ =	shalt  }
0x50: {  	_ =	shalt  }
0x51: {  	_ =	shalt  }
0x52: {  	_ =	shalt  }
0x53: {  	_ =	shalt  }
0x54: {  	_ =	shalt  }
0x55: {  	_ =	shalt  }
0x56: {  	_ =	shalt  }
0x57: {  	_ =	shalt  }
0x58: {  	_ =	shalt  }
0x59: {  	_ =	shalt  }
0x5a: {  	_ =	shalt  }
0x5b: {  	_ =	shalt  }
0x5c: {  	_ =	shalt  }
0x5d: {  	_ =	shalt  }
0x5e: {  	_ =	shalt  }
0x5f: {  	_ =	shalt  }
0x60: {  	_ =	shalt  }
0x61: {  	_ =	shalt  }
0x62: {  	_ =	shalt  }
0x63: {  	_ =	shalt  }
0x64: {  	_ =	shalt  }
0x65: {  	_ =	shalt  }
0x66: {  	_ =	shalt  }
0x67: {  	_ =	shalt  }
0x68: {  	_ =	shalt  }
0x69: {  	_ =	shalt  }
0x6a: {  	_ =	shalt  }
0x6b: {  	_ =	shalt  }
0x6c: {  	_ =	shalt  }
0x6d: {  	_ =	shalt  }
0x6e: {  	_ =	shalt  }
0x6f: {  	_ =	shalt  }
0x70: {  	_ =	shalt  }
0x71: {  	_ =	shalt  }
0x72: {  	_ =	shalt  }
0x73: {  	_ =	shalt  }
0x74: {  	_ =	shalt  }
0x75: {  	_ =	shalt  }
0x76: {  	_ =	shalt  }
0x77: {  	_ =	shalt  }
0x78: {  	_ =	shalt  }
0x79: {  	_ =	shalt  }
0x7a: {  	_ =	shalt  }
0x7b: {  	_ =	shalt  }
0x7c: {  	_ =	shalt  }
0x7d: {  	_ =	shalt  }
0x7e: {  	_ =	shalt  }
0x7f: {  	_ =	shalt  }
0x80: {  	_ =	shalt  }
0x81: {  	_ =	shalt  }
0x82: {  	_ =	shalt  }
0x83: {  	_ =	shalt  }
0x84: {  	_ =	shalt  }
0x85: {  	_ =	shalt  }
0x86: {  	_ =	shalt  }
0x87: {  	_ =	shalt  }
.Lfunc_end0:
.L_simem_size_0:
called_computation_lowered:
.L_overlay_start_0:
0x88: {  	s2 =	sld [smem:$0x3FD9]  }
0x89: {  	s3 =	sld [smem:$0x3FFE];
	_ =	sdelay $0x1  }
0x8a: {  	s1 =	srdreg.scid  }
0x8b: {  	s0 =	sand.u32 $0x1, s1  }
0x8c: {  	s17 =	sshll.u32 s0, $0xA;
	s2 =	sadd.s32 s3, s2  }
0x8d: {  	s2 =	sadd.s32 s2, s17  }
0x8e: {  	[smem:$0x3FC1] =	sst s2  }
0x8f: {  	_ = 	snop  }
0x90: {  	s2 =	sld [smem:$0x3FC9]  }
0x91: {  	s18 =	sld [smem:$0x3FC8]  }
0x92: {  	s4 =	sld [smem:$0x3FC7];
	(tm) =	ssettm $0x1  }
0x93: {  	s5 =	sld [smem:$0x3FFB];
	_ =	sdelay $0x3  }
0x94: {  	_ =	strace s5  }
0x95: {  	s5 =	sld [smem:$0x3FFC];
	_ =	sdelay $0x3  }
0x96: {  	_ =	strace s5  }
0x97: {  	s5 =	sld [smem:$0x3FFD];
	_ =	sdelay $0x3  }
0x98: {  	_ =	strace s5  }
0x99: {  	_ =	strace $0x8FFFFFFF  }
0x9a: {  	s19 =	sld [smem:$0x3FDB];
	_ =	sdelay $0x1  }
0x9b: {  	s6 =	simm.s32 $_scs_section_size  }
0x9c: {  	s7 =	simm.s32 $_size__tile_overlayer_lowered;
	s8 =	simm.s32 $_tile_overlayer_lowered  }
0x9d: {  	s22 =	simm.s32 $0x1BFF;
	s21 =	sshll.u32 s8, $0x1;
	s5 =	sadd.s32 s6, s19  }
0x9e: {  	s9 =	simm.s32 $0x0;
	s20 =	sshll.u32 s7, $0x1;
	s7 =	sadd.s32 s21, s5  }
0x9f: {  	[timem:s9], [sflag:s22] =	dma.local [hbm:s7], s20  }
0xa0: {  	_ =	swait.ge [sflag:s22], s20  }
0xa1: {  	s6 =	ssub.s32 $0x0, s20;
	[sflag:s22] =	ssyncset.done $0x0  }
0xa2: {  	[sflag:s22] =	ssyncadd.s32 s6;
	_ =	sdelay $0x1  }
0xa3: {  	s23 =	simm.s32 $0x1B8B  }
0xa4: {  	_ =	swait.ge [sflag:s23], $0x1  }
0xa5: {  	[sflag:s23] =	ssyncset.done $0x0  }
0xa6: {  	s25 =	simm.s32 $0x1B8E;
	s24 =	sld [smem:$0x3FFE];
	[sflag:s23] =	ssyncadd.s32 $0xFFFFFFFF  }
0xa7: {  	s26 =	simm.s32 $execute0_lowered;
	[smem:$0x3FD2] =	sst s25  }
0xa8: {  	s7 =	sshll.u32 s26, $0x1;
	_ =	strace $0x80000046;
	[dreg:$0x1] =	wrdreg $0xFFFFFFFF  }
0xa9: {  	s28 =	simm.s32 $_size_execute0_lowered;
	s5 =	sadd.s32 s5, s7;
	[dreg:$0x0] =	wrdreg $0x0  }
0xaa: {  	s7 =	sshll.u32 s28, $0x1;
	[dreg:$0x2] =	wrdreg s5  }
0xab: {  	[dreg:$0x3] =	wrdreg s7  }
0xac: {  	[dreg:$0x4] =	wrdreg $0xC0  }
0xad: {  	_ =	task [dreg:s9], $0x5FFFF  }
0xae: {  	[dreg:$0x1] =	wrdreg $0xFFFFFFFF  }
0xaf: {  	[dreg:$0x0] =	wrdreg $0x60  }
0xb0: {  	[dreg:$0x2] =	wrdreg s2  }
0xb1: {  	[dreg:$0x3] =	wrdreg s18  }
0xb2: {  	[dreg:$0x4] =	wrdreg s4  }
0xb3: {  	[dreg:$0x5] =	wrdreg s24  }
0xb4: {  	[dreg:$0x6] =	wrdreg $0x9  }
0xb5: {  	_ =	task.clear_ibuf [dreg:s9], $0x7FFFF;
	_ =	strace $0x90000046  }
0xb6: {  	s29 =	simm.s32 $0x9;
	_ =	strace $0x80000048  }
0xb7: {  	_ =	swait.ge [sflag:s29], $0x1  }
0xb8: {  	[sflag:s29] =	ssyncadd.s32 $0xFFFFFFFF  }
0xb9: {  	_ =	strace $0x90000048  }
0xba: {  	_ =	sfence  }
0xbb: {  	s30 =	sld [smem:$0x0];
	_ =	sdelay $0x2  }
0xbc: {  	s31 =	sshll.u32 s1, $0xD;
	s1 =	sshrl.u32 s1, $0x2  }
0xbd: {  	s3 =	sand.u32 $0x4000, s31;
	s1 =	sadd.s32 s1, s30  }
0xbe: {  	s0 =	sor.u32 s3, s0;
	s1 =	sshll.u32 s1, $0x11  }
0xbf: {  	s0 =	sor.u32 s1, s0  }
0xc0: {  	s0 =	sadd.s32 $0x8F2B, s0  }
0xc1: {  	[sflag:s0] =	ssyncadd.remote.s32 $0x1  }
0xc2: {  	_ =	sfence.sel $0xFFFF  }
0xc3: {  	[dreg:$0x0] =	wrdreg $0xFFFFFFFF;
	(pc) =	sbr.abs _section_cstart, $3  }
0xc4: {  	[dreg:$0x1] =	wrdreg $0xFFFFFFFF  }
0xc5: {  	_ =	task.clear_ibuf [dreg:s9], $0x2FFFF;
	_ =	strace $0x9FFFFFFF  }
0xc6: {  	(tm) =	ssettm $0x7FFFFFFF  }
0xc7: {  	_ =	shalt  }
tec
execute0_lowered:
.L_overlay_start_1:
0x0: {  	(tag) =	ssettag $0x1  }
0x1: {  	s0 =	rddreg [dreg:$0x0]  }
0x2: {  	s2 =	rddreg [dreg:$0x1]  }
0x3: {  	s9 =	rddreg [dreg:$0x2]  }
0x4: {  	s7 =	rddreg [dreg:$0x3];
	s1 =	simm.s32 $0x0  }
0x5: {  	s6 =	srdreg.scid;
	s10 =	stileid.u32;
	s13 =	simm.s32 $0x200  }
0x6: {  	s15 =	simm.s32 $0x80;
	s21 =	simm.s32 $0x280;
	[smem:$0x7FF] =	sst s1  }
0x7: {  	v0 =	vimm.f32 $9.000000000e+00;
	s25 =	simm.s32 $0x100;
	s28 =	simm.s32 $0x300;
	_ =	strace $0x80000047  }
0x8: {  	s14 =	simm.s32 $0x380;
	s17 =	simm.s32 $0x10780;
	s18 =	simm.s32 $0x10980;
	(erf) = vrcp.f32 v0  }
0x9: {  	s19 =	simm.s32 $0x1;
	s20 =	simm.s32 $0x2;
	s22 =	simm.s32 $0x3  }
0xa: {  	s23 =	simm.s32 $0x4;
	s24 =	simm.s32 $0x10A10;
	s26 =	simm.s32 $0x10A00;
	v0 =	vlaneseq.u32  }
0xb: {  	s29 =	simm.s32 $0x0;
	s3 =	sadd.s32 $0x24BA00, s7;
	s4 =	sadd.s32 $0x4C00, s7;
	v0 =	vmul.u32 $0x11, v0  }
0xc: {  	v17 =	vimm.f32 $0.0e+00;
	s5 =	sadd.s32 $0x188400, s7;
	s8 =	sand.u32 $0x1, s6;
	s10 =	sshll.u32 s10, $0x1  }
0xd: {  	s6 =	sadd.s32 $0x1A00, s7;
	s10 =	sor.u32 s8, s10;
	s8 =	ssub.s32 $0x2, s8;
	v1 =	vadd.s32 $0x1, v0;
	v2 =	vadd.s32 $0x2, v0;
	v3 =	vadd.s32 $0x3, v0  }
0xe: {  	s11 =	sshll.u32 s10, $0x1;
	s12 =	sshrl.u32 s8, $0x1;
	s10 =	sshll.u32 s10, $0x6;
	v4 =	vadd.s32 $0x4, v0;
	v5 =	vadd.s32 $0x5, v0;
	v6 =	vadd.s32 $0x6, v0  }
0xf: {  	s11 =	sadd.s32 s11, s7;
	s12 =	ssub.s32 s8, s12;
	s7 =	sadd.s32 s0, s10;
	v7 =	vadd.s32 $0x7, v0;
	v8 =	vadd.s32 $0x8, v0;
	v9 =	vadd.s32 $0x9, v0  }
0x10: {  	s8 =	sadd.s32 s2, s10;
	s9 =	sadd.s32 s9, s10;
	s0 =	simm.s32 $0x180;
	v10 =	vadd.s32 $0xA, v0;
	v11 =	vadd.s32 $0xB, v0;
	v12 =	vadd.s32 $0xC, v0  }
0x11: {  	s10 =	sadd.s32 $0x7E00, s11;
	s11 =	smax.u32 s12, $0x1;
	s12 =	simm.s32 $0x5;
	v13 =	vadd.s32 $0xD, v0;
	v15 =	vadd.s32 $0xE, v0;
	v16 =	vadd.s32 $0xF, v0;
	v14 =	vpop (erf)  }
.LBB2_1:
0x12: {  	[tilespmem:s1], [sflag:$0x5] =	stream.linear.gather [hbm4b:s7+s1], $0x200, $0x38;
	[tilespmem:$0x10B20] =	vst v63  }
0x13: {  	_ =	swait.ge [sflag:s12], $0x200  }
0x14: {  	[sflag:s12] =	ssyncset.done $0x0  }
0x15: {  	[sflag:s12] =	ssyncadd.s32 $0xFFFFFE00  }
0x16: {  	[tilespmem:s13], [sflag:$0x5] =	stream.linear.gather [hbm4b:s8+s1], $0x200, $0x38;
	[tilespmem:$0x10B20] =	vst v63  }
0x17: {  	_ =	swait.ge [sflag:s12], $0x200  }
0x18: {  	[sflag:s12] =	ssyncset.done $0x0  }
0x19: {  	s2 =	simm.s32 $0x400;
	[sflag:s12] =	ssyncadd.s32 $0xFFFFFE00  }
0x1a: {  	[tilespmem:s2], [sflag:$0x5] =	stream.linear.gather [hbm4b:s9+s1], $0x200, $0x38;
	[tilespmem:$0x10B20] =	vst v63  }
0x1b: {  	_ =	swait.ge [sflag:s12], $0x200  }
0x1c: {  	[sflag:s12] =	ssyncset.done $0x0  }
0x1d: {  	s16 =	simm.s32 $0x600;
	[sflag:s12] =	ssyncadd.s32 $0xFFFFFE00  }
0x1e: {  	[tilespmem:s16], [sflag:$0x1] =	stream.indirect.gather [hbm4b:s3+s15], $0x40, s1, s15, $0xb8;
	[tilespmem:$0x10B20] =	vst v63  }
0x1f: {  	s16 =	simm.s32 $0x8600  }
0x20: {  	[tilespmem:s16], [sflag:$0x2] =	stream.indirect.gather [hbm4b:s5+s15], $0x40, s13, s15, $0xb8;
	[tilespmem:$0x10B20] =	vst v63  }
0x21: {  	s16 =	simm.s32 $0x10600  }
0x22: {  	[tilespmem:s16], [sflag:$0x3] =	stream.indirect.gather [hbm4b:s4+s15], $0x1, s1, s15, $0xb8;
	[tilespmem:$0x10B20] =	vst v63  }
0x23: {  	s16 =	simm.s32 $0x10800  }
0x24: {  	[tilespmem:s16], [sflag:$0x4] =	stream.indirect.gather [hbm4b:s6+s15], $0x1, s13, s15, $0xb8;
	[tilespmem:$0x10B20] =	vst v63  }
0x25: {  	s16 =	simm.s32 $0x2600  }
0x26: {  	[tilespmem:s16], [sflag:$0x1] =	stream.indirect.gather [hbm4b:s3+s15], $0x40, s15, s15, $0xb8;
	[tilespmem:$0x10B20] =	vst v63  }
0x27: {  	s16 =	simm.s32 $0xA600  }
0x28: {  	[tilespmem:s16], [sflag:$0x2] =	stream.indirect.gather [hbm4b:s5+s15], $0x40, s21, s15, $0xb8;
	[tilespmem:$0x10B20] =	vst v63  }
0x29: {  	s16 =	simm.s32 $0x10680  }
0x2a: {  	[tilespmem:s16], [sflag:$0x3] =	stream.indirect.gather [hbm4b:s4+s15], $0x1, s15, s15, $0xb8;
	[tilespmem:$0x10B20] =	vst v63  }
0x2b: {  	s16 =	simm.s32 $0x10880  }
0x2c: {  	[tilespmem:s16], [sflag:$0x4] =	stream.indirect.gather [hbm4b:s6+s15], $0x1, s21, s15, $0xb8;
	[tilespmem:$0x10B20] =	vst v63  }
0x2d: {  	s16 =	simm.s32 $0x4600  }
0x2e: {  	[tilespmem:s16], [sflag:$0x1] =	stream.indirect.gather [hbm4b:s3+s15], $0x40, s25, s15, $0xb8;
	[tilespmem:$0x10B20] =	vst v63  }
0x2f: {  	s16 =	simm.s32 $0xC600  }
0x30: {  	[tilespmem:s16], [sflag:$0x2] =	stream.indirect.gather [hbm4b:s5+s15], $0x40, s28, s15, $0xb8;
	[tilespmem:$0x10B20] =	vst v63  }
0x31: {  	s16 =	simm.s32 $0x10700  }
0x32: {  	[tilespmem:s16], [sflag:$0x3] =	stream.indirect.gather [hbm4b:s4+s15], $0x1, s25, s15, $0xb8;
	[tilespmem:$0x10B20] =	vst v63  }
0x33: {  	s16 =	simm.s32 $0x10900  }
0x34: {  	[tilespmem:s16], [sflag:$0x4] =	stream.indirect.gather [hbm4b:s6+s15], $0x1, s28, s15, $0xb8;
	[tilespmem:$0x10B20] =	vst v63  }
0x35: {  	s16 =	simm.s32 $0x6600  }
0x36: {  	[tilespmem:s16], [sflag:$0x1] =	stream.indirect.gather [hbm4b:s3+s15], $0x40, s0, s15, $0xb8;
	[tilespmem:$0x10B20] =	vst v63  }
0x37: {  	s16 =	simm.s32 $0xE600  }
0x38: {  	[tilespmem:s16], [sflag:$0x2] =	stream.indirect.gather [hbm4b:s5+s15], $0x40, s14, s15, $0xb8;
	[tilespmem:$0x10B20] =	vst v63  }
0x39: {  	_ = 	snop  }
0x3a: {  	[tilespmem:s17], [sflag:$0x3] =	stream.indirect.gather [hbm4b:s4+s15], $0x1, s0, s15, $0xb8;
	[tilespmem:$0x10B20] =	vst v63  }
0x3b: {  	_ = 	snop  }
0x3c: {  	[tilespmem:s18], [sflag:$0x4] =	stream.indirect.gather [hbm4b:s6+s15], $0x1, s14, s15, $0xb8;
	[tilespmem:$0x10B20] =	vst v63  }
0x3d: {  	_ =	swait.ge [sflag:s19], $0x2000  }
0x3e: {  	[sflag:s19] =	ssyncset.done $0x0  }
0x3f: {  	[sflag:s19] =	ssyncadd.s32 $0xFFFFE000  }
0x40: {  	_ =	swait.ge [sflag:s20], $0x2000  }
0x41: {  	[sflag:s20] =	ssyncset.done $0x0  }
0x42: {  	[sflag:s20] =	ssyncadd.s32 $0xFFFFE000  }
0x43: {  	_ =	swait.ge [sflag:s22], $0x80  }
0x44: {  	[sflag:s22] =	ssyncset.done $0x0  }
0x45: {  	[sflag:s22] =	ssyncadd.s32 $0xFFFFFF80  }
0x46: {  	_ =	swait.ge [sflag:s23], $0x80  }
0x47: {  	[sflag:s23] =	ssyncset.done $0x0  }
0x48: {  	[sflag:s23] =	ssyncadd.s32 $0xFFFFFF80  }
0x49: {  	_ =	swait.ge [sflag:s19], $0x2000  }
0x4a: {  	[sflag:s19] =	ssyncset.done $0x0  }
0x4b: {  	[sflag:s19] =	ssyncadd.s32 $0xFFFFE000  }
0x4c: {  	_ =	swait.ge [sflag:s20], $0x2000  }
0x4d: {  	[sflag:s20] =	ssyncset.done $0x0  }
0x4e: {  	[sflag:s20] =	ssyncadd.s32 $0xFFFFE000  }
0x4f: {  	_ =	swait.ge [sflag:s22], $0x80  }
0x50: {  	[sflag:s22] =	ssyncset.done $0x0  }
0x51: {  	[sflag:s22] =	ssyncadd.s32 $0xFFFFFF80  }
0x52: {  	_ =	swait.ge [sflag:s23], $0x80  }
0x53: {  	[sflag:s23] =	ssyncset.done $0x0  }
0x54: {  	[sflag:s23] =	ssyncadd.s32 $0xFFFFFF80  }
0x55: {  	_ =	swait.ge [sflag:s19], $0x2000  }
0x56: {  	[sflag:s19] =	ssyncset.done $0x0  }
0x57: {  	[sflag:s19] =	ssyncadd.s32 $0xFFFFE000  }
0x58: {  	_ =	swait.ge [sflag:s20], $0x2000  }
0x59: {  	[sflag:s20] =	ssyncset.done $0x0  }
0x5a: {  	[sflag:s20] =	ssyncadd.s32 $0xFFFFE000  }
0x5b: {  	_ =	swait.ge [sflag:s22], $0x80  }
0x5c: {  	[sflag:s22] =	ssyncset.done $0x0  }
0x5d: {  	[sflag:s22] =	ssyncadd.s32 $0xFFFFFF80  }
0x5e: {  	_ =	swait.ge [sflag:s23], $0x80  }
0x5f: {  	[sflag:s23] =	ssyncset.done $0x0  }
0x60: {  	[sflag:s23] =	ssyncadd.s32 $0xFFFFFF80  }
0x61: {  	_ =	swait.ge [sflag:s19], $0x2000  }
0x62: {  	[sflag:s19] =	ssyncset.done $0x0  }
0x63: {  	[sflag:s19] =	ssyncadd.s32 $0xFFFFE000  }
0x64: {  	_ =	swait.ge [sflag:s20], $0x2000  }
0x65: {  	[sflag:s20] =	ssyncset.done $0x0  }
0x66: {  	[sflag:s20] =	ssyncadd.s32 $0xFFFFE000  }
0x67: {  	_ =	swait.ge [sflag:s22], $0x80  }
0x68: {  	[sflag:s22] =	ssyncset.done $0x0  }
0x69: {  	[sflag:s22] =	ssyncadd.s32 $0xFFFFFF80  }
0x6a: {  	_ =	swait.ge [sflag:s23], $0x80  }
0x6b: {  	s30 =	simm.s32 $0x800;
	[sflag:s23] =	ssyncset.done $0x0  }
0x6c: {  	s31 =	simm.s32 $0x8800;
	v18 =	vimm.f32 $0.0e+00;
	s2 =	simm.s32 $0x0;
	[sflag:s23] =	ssyncadd.s32 $0xFFFFFF80  }
.LBB2_2:
0x6d: {  	v19 =	vld [tilespmem:s30+$0xFFFFFE00]  }
0x6e: {  	v20 =	vld [tilespmem:s31+$0xFFFFFE00]  }
0x6f: {  	v21 =	vld [tilespmem:s30+$0xFFFFFE10]  }
0x70: {  	v22 =	vld [tilespmem:s31+$0xFFFFFE10]  }
0x71: {  	v23 =	vld [tilespmem:s30+$0xFFFFFE20]  }
0x72: {  	v24 =	vld [tilespmem:s31+$0xFFFFFE20]  }
0x73: {  	v25 =	vld [tilespmem:s30+$0xFFFFFE30]  }
0x74: {  	v26 =	vld [tilespmem:s31+$0xFFFFFE30]  }
0x75: {  	v19 =	vmul.f32 v20, v19;
	v20 =	vmul.f32 v22, v21;
	_ =	sdelay $0x1  }
0x76: {  	v19 =	vadd.f32 v20, v19;
	v20 =	vmul.f32 v24, v23;
	_ =	sdelay $0x1  }
0x77: {  	v19 =	vadd.f32 v20, v19;
	v20 =	vmul.f32 v26, v25;
	_ =	sdelay $0x1  }
0x78: {  	v19 =	vadd.f32 v20, v19;
	_ =	sdelay $0x1  }
0x79: {  	[tilespmem:v0+s24+$0x0] =	vst.idx.msk $0xffff, v19  }
0x7a: {  	v19 =	vld [tilespmem:s30+$0xFFFFFE40]  }
0x7b: {  	v20 =	vld [tilespmem:s31+$0xFFFFFE40]  }
0x7c: {  	v57 =	vld [tilespmem:s30+$0xFFFFFE50]  }
0x7d: {  	v58 =	vld [tilespmem:s31+$0xFFFFFE50]  }
0x7e: {  	v59 =	vld [tilespmem:s30+$0xFFFFFE60]  }
0x7f: {  	v60 =	vld [tilespmem:s31+$0xFFFFFE60]  }
0x80: {  	v61 =	vld [tilespmem:s30+$0xFFFFFE70]  }
0x81: {  	v62 =	vld [tilespmem:s31+$0xFFFFFE70]  }
0x82: {  	v19 =	vmul.f32 v20, v19;
	v20 =	vmul.f32 v58, v57;
	_ =	sdelay $0x1  }
0x83: {  	v19 =	vadd.f32 v20, v19;
	v20 =	vmul.f32 v60, v59;
	_ =	sdelay $0x1  }
0x84: {  	v19 =	vadd.f32 v20, v19;
	v20 =	vmul.f32 v62, v61;
	_ =	sdelay $0x1  }
0x85: {  	v19 =	vadd.f32 v20, v19;
	_ =	sdelay $0x1  }
0x86: {  	[tilespmem:v1+s24+$0x0] =	vst.idx.msk $0xffff, v19  }
0x87: {  	v19 =	vld [tilespmem:s30+$0xFFFFFE80]  }
0x88: {  	v20 =	vld [tilespmem:s31+$0xFFFFFE80]  }
0x89: {  	v63 =	vld [tilespmem:s30+$0xFFFFFE90]  }
0x8a: {  	v28 =	vld [tilespmem:s31+$0xFFFFFE90]  }
0x8b: {  	v29 =	vld [tilespmem:s30+$0xFFFFFEA0]  }
0x8c: {  	v30 =	vld [tilespmem:s31+$0xFFFFFEA0]  }
0x8d: {  	v31 =	vld [tilespmem:s30+$0xFFFFFEB0]  }
0x8e: {  	v32 =	vld [tilespmem:s31+$0xFFFFFEB0]  }
0x8f: {  	v19 =	vmul.f32 v20, v19;
	v20 =	vmul.f32 v28, v63;
	_ =	sdelay $0x1  }
0x90: {  	v19 =	vadd.f32 v20, v19;
	v20 =	vmul.f32 v30, v29;
	_ =	sdelay $0x1  }
0x91: {  	v19 =	vadd.f32 v20, v19;
	v20 =	vmul.f32 v32, v31;
	_ =	sdelay $0x1  }
0x92: {  	v19 =	vadd.f32 v20, v19;
	_ =	sdelay $0x1  }
0x93: {  	[tilespmem:v2+s24+$0x0] =	vst.idx.msk $0xffff, v19  }
0x94: {  	v19 =	vld [tilespmem:s30+$0xFFFFFEC0]  }
0x95: {  	v20 =	vld [tilespmem:s31+$0xFFFFFEC0]  }
0x96: {  	v33 =	vld [tilespmem:s30+$0xFFFFFED0]  }
0x97: {  	v34 =	vld [tilespmem:s31+$0xFFFFFED0]  }
0x98: {  	v35 =	vld [tilespmem:s30+$0xFFFFFEE0]  }
0x99: {  	v36 =	vld [tilespmem:s31+$0xFFFFFEE0]  }
0x9a: {  	v37 =	vld [tilespmem:s30+$0xFFFFFEF0]  }
0x9b: {  	v38 =	vld [tilespmem:s31+$0xFFFFFEF0]  }
0x9c: {  	v19 =	vmul.f32 v20, v19;
	v20 =	vmul.f32 v34, v33;
	_ =	sdelay $0x1  }
0x9d: {  	v19 =	vadd.f32 v20, v19;
	v20 =	vmul.f32 v36, v35;
	_ =	sdelay $0x1  }
0x9e: {  	v19 =	vadd.f32 v20, v19;
	v20 =	vmul.f32 v38, v37;
	_ =	sdelay $0x1  }
0x9f: {  	v19 =	vadd.f32 v20, v19;
	_ =	sdelay $0x1  }
0xa0: {  	[tilespmem:v3+s24+$0x0] =	vst.idx.msk $0xffff, v19  }
0xa1: {  	v19 =	vld [tilespmem:s30+$0xFFFFFF00]  }
0xa2: {  	v20 =	vld [tilespmem:s31+$0xFFFFFF00]  }
0xa3: {  	v39 =	vld [tilespmem:s30+$0xFFFFFF10]  }
0xa4: {  	v40 =	vld [tilespmem:s31+$0xFFFFFF10]  }
0xa5: {  	v41 =	vld [tilespmem:s30+$0xFFFFFF20]  }
0xa6: {  	v42 =	vld [tilespmem:s31+$0xFFFFFF20]  }
0xa7: {  	v43 =	vld [tilespmem:s30+$0xFFFFFF30]  }
0xa8: {  	v44 =	vld [tilespmem:s31+$0xFFFFFF30]  }
0xa9: {  	v19 =	vmul.f32 v20, v19;
	v20 =	vmul.f32 v40, v39;
	_ =	sdelay $0x1  }
0xaa: {  	v19 =	vadd.f32 v20, v19;
	v20 =	vmul.f32 v42, v41;
	_ =	sdelay $0x1  }
0xab: {  	v19 =	vadd.f32 v20, v19;
	v20 =	vmul.f32 v44, v43;
	_ =	sdelay $0x1  }
0xac: {  	v19 =	vadd.f32 v20, v19;
	_ =	sdelay $0x1  }
0xad: {  	[tilespmem:v4+s24+$0x0] =	vst.idx.msk $0xffff, v19  }
0xae: {  	v19 =	vld [tilespmem:s30+$0xFFFFFF40]  }
0xaf: {  	v20 =	vld [tilespmem:s31+$0xFFFFFF40]  }
0xb0: {  	v45 =	vld [tilespmem:s30+$0xFFFFFF50]  }
0xb1: {  	v46 =	vld [tilespmem:s31+$0xFFFFFF50]  }
0xb2: {  	v47 =	vld [tilespmem:s30+$0xFFFFFF60]  }
0xb3: {  	v48 =	vld [tilespmem:s31+$0xFFFFFF60]  }
0xb4: {  	v49 =	vld [tilespmem:s30+$0xFFFFFF70]  }
0xb5: {  	v50 =	vld [tilespmem:s31+$0xFFFFFF70]  }
0xb6: {  	v19 =	vmul.f32 v20, v19;
	v20 =	vmul.f32 v46, v45;
	_ =	sdelay $0x1  }
0xb7: {  	v19 =	vadd.f32 v20, v19;
	v20 =	vmul.f32 v48, v47;
	_ =	sdelay $0x1  }
0xb8: {  	v19 =	vadd.f32 v20, v19;
	v20 =	vmul.f32 v50, v49;
	_ =	sdelay $0x1  }
0xb9: {  	v19 =	vadd.f32 v20, v19;
	_ =	sdelay $0x1  }
0xba: {  	[tilespmem:v5+s24+$0x0] =	vst.idx.msk $0xffff, v19  }
0xbb: {  	v19 =	vld [tilespmem:s30+$0xFFFFFF80]  }
0xbc: {  	v20 =	vld [tilespmem:s31+$0xFFFFFF80]  }
0xbd: {  	v51 =	vld [tilespmem:s30+$0xFFFFFF90]  }
0xbe: {  	v52 =	vld [tilespmem:s31+$0xFFFFFF90]  }
0xbf: {  	v53 =	vld [tilespmem:s30+$0xFFFFFFA0]  }
0xc0: {  	v54 =	vld [tilespmem:s31+$0xFFFFFFA0]  }
0xc1: {  	v55 =	vld [tilespmem:s30+$0xFFFFFFB0]  }
0xc2: {  	v56 =	vld [tilespmem:s31+$0xFFFFFFB0]  }
0xc3: {  	v19 =	vmul.f32 v20, v19;
	v20 =	vmul.f32 v52, v51;
	_ =	sdelay $0x1  }
0xc4: {  	v19 =	vadd.f32 v20, v19;
	v20 =	vmul.f32 v54, v53;
	_ =	sdelay $0x1  }
0xc5: {  	v19 =	vadd.f32 v20, v19;
	v20 =	vmul.f32 v56, v55;
	_ =	sdelay $0x1  }
0xc6: {  	v19 =	vadd.f32 v20, v19;
	_ =	sdelay $0x1  }
0xc7: {  	[tilespmem:v6+s24+$0x0] =	vst.idx.msk $0xffff, v19  }
0xc8: {  	v19 =	vld [tilespmem:s30+$0xFFFFFFC0]  }
0xc9: {  	v20 =	vld [tilespmem:s31+$0xFFFFFFC0]  }
0xca: {  	v57 =	vld [tilespmem:s30+$0xFFFFFFD0]  }
0xcb: {  	v58 =	vld [tilespmem:s31+$0xFFFFFFD0]  }
0xcc: {  	v59 =	vld [tilespmem:s30+$0xFFFFFFE0]  }
0xcd: {  	v60 =	vld [tilespmem:s31+$0xFFFFFFE0]  }
0xce: {  	v61 =	vld [tilespmem:s30+$0xFFFFFFF0]  }
0xcf: {  	v62 =	vld [tilespmem:s31+$0xFFFFFFF0]  }
0xd0: {  	v19 =	vmul.f32 v20, v19;
	v20 =	vmul.f32 v58, v57;
	_ =	sdelay $0x1  }
0xd1: {  	v19 =	vadd.f32 v20, v19;
	v20 =	vmul.f32 v60, v59;
	_ =	sdelay $0x1  }
0xd2: {  	v19 =	vadd.f32 v20, v19;
	v20 =	vmul.f32 v62, v61;
	_ =	sdelay $0x1  }
0xd3: {  	v19 =	vadd.f32 v20, v19;
	_ =	sdelay $0x1  }
0xd4: {  	[tilespmem:v7+s24+$0x0] =	vst.idx.msk $0xffff, v19  }
0xd5: {  	v19 =	vld [tilespmem:s30+$0x0]  }
0xd6: {  	v20 =	vld [tilespmem:s31+$0x0]  }
0xd7: {  	v63 =	vld [tilespmem:s30+$0x10]  }
0xd8: {  	v28 =	vld [tilespmem:s31+$0x10]  }
0xd9: {  	v29 =	vld [tilespmem:s30+$0x20]  }
0xda: {  	v30 =	vld [tilespmem:s31+$0x20]  }
0xdb: {  	v31 =	vld [tilespmem:s30+$0x30]  }
0xdc: {  	v32 =	vld [tilespmem:s31+$0x30]  }
0xdd: {  	v19 =	vmul.f32 v20, v19;
	v20 =	vmul.f32 v28, v63;
	_ =	sdelay $0x1  }
0xde: {  	v19 =	vadd.f32 v20, v19;
	v20 =	vmul.f32 v30, v29;
	_ =	sdelay $0x1  }
0xdf: {  	v19 =	vadd.f32 v20, v19;
	v20 =	vmul.f32 v32, v31;
	_ =	sdelay $0x1  }
0xe0: {  	v19 =	vadd.f32 v20, v19;
	_ =	sdelay $0x1  }
0xe1: {  	[tilespmem:v8+s24+$0x0] =	vst.idx.msk $0xffff, v19  }
0xe2: {  	v19 =	vld [tilespmem:s30+$0x40]  }
0xe3: {  	v20 =	vld [tilespmem:s31+$0x40]  }
0xe4: {  	v33 =	vld [tilespmem:s30+$0x50]  }
0xe5: {  	v34 =	vld [tilespmem:s31+$0x50]  }
0xe6: {  	v35 =	vld [tilespmem:s30+$0x60]  }
0xe7: {  	v36 =	vld [tilespmem:s31+$0x60]  }
0xe8: {  	v37 =	vld [tilespmem:s30+$0x70]  }
0xe9: {  	v38 =	vld [tilespmem:s31+$0x70]  }
0xea: {  	v19 =	vmul.f32 v20, v19;
	v20 =	vmul.f32 v34, v33;
	_ =	sdelay $0x1  }
0xeb: {  	v19 =	vadd.f32 v20, v19;
	v20 =	vmul.f32 v36, v35;
	_ =	sdelay $0x1  }
0xec: {  	v19 =	vadd.f32 v20, v19;
	v20 =	vmul.f32 v38, v37;
	_ =	sdelay $0x1  }
0xed: {  	v19 =	vadd.f32 v20, v19;
	_ =	sdelay $0x1  }
0xee: {  	[tilespmem:v9+s24+$0x0] =	vst.idx.msk $0xffff, v19  }
0xef: {  	v19 =	vld [tilespmem:s30+$0x80]  }
0xf0: {  	v20 =	vld [tilespmem:s31+$0x80]  }
0xf1: {  	v39 =	vld [tilespmem:s30+$0x90]  }
0xf2: {  	v40 =	vld [tilespmem:s31+$0x90]  }
0xf3: {  	v41 =	vld [tilespmem:s30+$0xA0]  }
0xf4: {  	v42 =	vld [tilespmem:s31+$0xA0]  }
0xf5: {  	v43 =	vld [tilespmem:s30+$0xB0]  }
0xf6: {  	v44 =	vld [tilespmem:s31+$0xB0]  }
0xf7: {  	v19 =	vmul.f32 v20, v19;
	v20 =	vmul.f32 v40, v39;
	_ =	sdelay $0x1  }
0xf8: {  	v19 =	vadd.f32 v20, v19;
	v20 =	vmul.f32 v42, v41;
	_ =	sdelay $0x1  }
0xf9: {  	v19 =	vadd.f32 v20, v19;
	v20 =	vmul.f32 v44, v43;
	_ =	sdelay $0x1  }
0xfa: {  	v19 =	vadd.f32 v20, v19;
	_ =	sdelay $0x1  }
0xfb: {  	[tilespmem:v10+s24+$0x0] =	vst.idx.msk $0xffff, v19  }
0xfc: {  	v19 =	vld [tilespmem:s30+$0xC0]  }
0xfd: {  	v20 =	vld [tilespmem:s31+$0xC0]  }
0xfe: {  	v45 =	vld [tilespmem:s30+$0xD0]  }
0xff: {  	v46 =	vld [tilespmem:s31+$0xD0]  }
0x100: {  	v47 =	vld [tilespmem:s30+$0xE0]  }
0x101: {  	v48 =	vld [tilespmem:s31+$0xE0]  }
0x102: {  	v49 =	vld [tilespmem:s30+$0xF0]  }
0x103: {  	v50 =	vld [tilespmem:s31+$0xF0]  }
0x104: {  	v19 =	vmul.f32 v20, v19;
	v20 =	vmul.f32 v46, v45;
	_ =	sdelay $0x1  }
0x105: {  	v19 =	vadd.f32 v20, v19;
	v20 =	vmul.f32 v48, v47;
	_ =	sdelay $0x1  }
0x106: {  	v19 =	vadd.f32 v20, v19;
	v20 =	vmul.f32 v50, v49;
	_ =	sdelay $0x1  }
0x107: {  	v19 =	vadd.f32 v20, v19;
	_ =	sdelay $0x1  }
0x108: {  	[tilespmem:v11+s24+$0x0] =	vst.idx.msk $0xffff, v19  }
0x109: {  	v19 =	vld [tilespmem:s30+$0x100]  }
0x10a: {  	v20 =	vld [tilespmem:s31+$0x100]  }
0x10b: {  	v51 =	vld [tilespmem:s30+$0x110]  }
0x10c: {  	v52 =	vld [tilespmem:s31+$0x110]  }
0x10d: {  	v53 =	vld [tilespmem:s30+$0x120]  }
0x10e: {  	v54 =	vld [tilespmem:s31+$0x120]  }
0x10f: {  	v55 =	vld [tilespmem:s30+$0x130]  }
0x110: {  	v56 =	vld [tilespmem:s31+$0x130]  }
0x111: {  	v19 =	vmul.f32 v20, v19;
	v20 =	vmul.f32 v52, v51;
	_ =	sdelay $0x1  }
0x112: {  	v19 =	vadd.f32 v20, v19;
	v20 =	vmul.f32 v54, v53;
	_ =	sdelay $0x1  }
0x113: {  	v19 =	vadd.f32 v20, v19;
	v20 =	vmul.f32 v56, v55;
	_ =	sdelay $0x1  }
0x114: {  	v19 =	vadd.f32 v20, v19;
	_ =	sdelay $0x1  }
0x115: {  	[tilespmem:v12+s24+$0x0] =	vst.idx.msk $0xffff, v19  }
0x116: {  	v19 =	vld [tilespmem:s30+$0x140]  }
0x117: {  	v20 =	vld [tilespmem:s31+$0x140]  }
0x118: {  	v57 =	vld [tilespmem:s30+$0x150]  }
0x119: {  	v58 =	vld [tilespmem:s31+$0x150]  }
0x11a: {  	v59 =	vld [tilespmem:s30+$0x160]  }
0x11b: {  	v60 =	vld [tilespmem:s31+$0x160]  }
0x11c: {  	v61 =	vld [tilespmem:s30+$0x170]  }
0x11d: {  	v62 =	vld [tilespmem:s31+$0x170]  }
0x11e: {  	v19 =	vmul.f32 v20, v19;
	v20 =	vmul.f32 v58, v57;
	_ =	sdelay $0x1  }
0x11f: {  	v19 =	vadd.f32 v20, v19;
	v20 =	vmul.f32 v60, v59;
	_ =	sdelay $0x1  }
0x120: {  	v19 =	vadd.f32 v20, v19;
	v20 =	vmul.f32 v62, v61;
	_ =	sdelay $0x1  }
0x121: {  	v19 =	vadd.f32 v20, v19;
	_ =	sdelay $0x1  }
0x122: {  	[tilespmem:v13+s24+$0x0] =	vst.idx.msk $0xffff, v19  }
0x123: {  	v19 =	vld [tilespmem:s30+$0x180]  }
0x124: {  	v20 =	vld [tilespmem:s31+$0x180]  }
0x125: {  	v63 =	vld [tilespmem:s30+$0x190]  }
0x126: {  	v28 =	vld [tilespmem:s31+$0x190]  }
0x127: {  	v29 =	vld [tilespmem:s30+$0x1A0]  }
0x128: {  	v30 =	vld [tilespmem:s31+$0x1A0]  }
0x129: {  	v31 =	vld [tilespmem:s30+$0x1B0]  }
0x12a: {  	v32 =	vld [tilespmem:s31+$0x1B0]  }
0x12b: {  	v19 =	vmul.f32 v20, v19;
	v20 =	vmul.f32 v28, v63;
	_ =	sdelay $0x1  }
0x12c: {  	v19 =	vadd.f32 v20, v19;
	v20 =	vmul.f32 v30, v29;
	_ =	sdelay $0x1  }
0x12d: {  	v19 =	vadd.f32 v20, v19;
	v20 =	vmul.f32 v32, v31;
	_ =	sdelay $0x1  }
0x12e: {  	v19 =	vadd.f32 v20, v19;
	_ =	sdelay $0x1  }
0x12f: {  	[tilespmem:v15+s24+$0x0] =	vst.idx.msk $0xffff, v19  }
0x130: {  	v19 =	vld [tilespmem:s30+$0x1C0]  }
0x131: {  	v20 =	vld [tilespmem:s31+$0x1C0]  }
0x132: {  	v33 =	vld [tilespmem:s30+$0x1D0]  }
0x133: {  	v34 =	vld [tilespmem:s31+$0x1D0]  }
0x134: {  	v35 =	vld [tilespmem:s30+$0x1E0]  }
0x135: {  	v36 =	vld [tilespmem:s31+$0x1E0]  }
0x136: {  	v37 =	vld [tilespmem:s30+$0x1F0]  }
0x137: {  	v38 =	vld [tilespmem:s31+$0x1F0]  }
0x138: {  	v19 =	vmul.f32 v20, v19;
	v20 =	vmul.f32 v34, v33;
	_ =	sdelay $0x1  }
0x139: {  	v19 =	vadd.f32 v20, v19;
	v20 =	vmul.f32 v36, v35;
	_ =	sdelay $0x1  }
0x13a: {  	v19 =	vadd.f32 v20, v19;
	v20 =	vmul.f32 v38, v37;
	_ =	sdelay $0x1  }
0x13b: {  	v19 =	vadd.f32 v20, v19;
	_ =	sdelay $0x1  }
0x13c: {  	s16 =	sshra.s32 s2, $0x2;
	[tilespmem:v16+s24+$0x0] =	vst.idx.msk $0xffff, v19  }
0x13d: {  	v19 =	vld [tilespmem:s16+$0x400];
	_ =	sdelay $0x4  }
0x13e: {  	v20 =	vand.u32 $0x7FFFFF, v19  }
0x13f: {  	v20 =	vor.u32 $0x3F800000, v20  }
0x140: {  	v39 =	vmul.f32 $5.000000000e-01, v20  }
0x141: {  	vm0 =	vgt.f32 v20, $1.414213540e+00  }
0x142: {  	v20 =	vsel vm0, v39, v20  }
0x143: {  	v21 =	vadd.f32 $1.000000000e+00, v20;
	_ =	sdelay $0x1  }
0x144: {  	(erf) = vrcp.f32 v21;
	_ =	sdelay $0x7  }
0x145: {  	v20 =	vadd.f32 $-1.000000000e+00, v20  }
0x146: {  	v40 =	vld [tilespmem:$0x10A10];
	v41 =	vpop (erf)  }
0x147: {  	v42 =	vld [tilespmem:$0x10A21];
	v20 =	vmul.f32 v41, v20;
	_ =	sdelay $0x1  }
0x148: {  	v43 =	vld [tilespmem:$0x10A32];
	v44 =	vmul.f32 v20, v20;
	_ =	sdelay $0x1  }
0x149: {  	v45 =	vld [tilespmem:$0x10A43];
	v46 =	vmul.f32 v44, v14  }
0x14a: {  	v21 =	vadd.f32 v42, v40  }
0x14b: {  	v47 =	vld [tilespmem:$0x10A54];
	v26 =	vadd.f32 $1.428571490e-01, v46  }
0x14c: {  	v21 =	vadd.f32 v43, v21  }
0x14d: {  	v48 =	vld [tilespmem:$0x10A65];
	v26 =	vmul.f32 v26, v44  }
0x14e: {  	v21 =	vadd.f32 v45, v21  }
0x14f: {  	v49 =	vld [tilespmem:$0x10A76];
	v26 =	vadd.f32 $2.000000030e-01, v26  }
0x150: {  	v21 =	vadd.f32 v47, v21  }
0x151: {  	v50 =	vld [tilespmem:$0x10A87];
	v26 =	vmul.f32 v26, v44  }
0x152: {  	v19 =	vshrl.u32 v19, $0x17;
	v21 =	vadd.f32 v48, v21  }
0x153: {  	v51 =	vld [tilespmem:$0x10A98];
	v19 =	vadd.s32 $0xFFFFFF81, v19;
	v26 =	vadd.f32 $3.333333430e-01, v26  }
0x154: {  	v19 =	vcvt.s32.f32 v19;
	v21 =	vadd.f32 v49, v21  }
0x155: {  	v52 =	vld [tilespmem:$0x10AA9];
	v53 =	vsel vm0, $0x3F800000, v17;
	v24 =	vmul.f32 v26, v44  }
0x156: {  	v19 =	vadd.f32 v19, v53;
	v21 =	vadd.f32 v50, v21  }
0x157: {  	v54 =	vld [tilespmem:$0x10ABA];
	v20 =	vadd.f32 v20, v20;
	v24 =	vadd.f32 $1.000000000e+00, v24  }
0x158: {  	v21 =	vadd.f32 v51, v21  }
0x159: {  	v55 =	vld [tilespmem:$0x10ACB];
	v19 =	vmul.f32 $6.931471820e-01, v19;
	v20 =	vmul.f32 v24, v20  }
0x15a: {  	v21 =	vadd.f32 v52, v21  }
0x15b: {  	v56 =	vld [tilespmem:$0x10ADC];
	v19 =	vadd.f32 v20, v19  }
0x15c: {  	v20 =	vadd.f32 v54, v21  }
0x15d: {  	v57 =	vld [tilespmem:$0x10AED];
	v58 =	vadd.f32 $-4.605170250e+00, v19  }
0x15e: {  	v20 =	vadd.f32 v55, v20  }
0x15f: {  	v59 =	vld [tilespmem:$0x10AFE];
	v23 =	vmul.f32 $7.500000000e-01, v58  }
0x160: {  	v20 =	vadd.f32 v56, v20  }
0x161: {  	v60 =	vld [tilespmem:$0x10B0F];
	v23 =	vmul.f32 $1.442695020e+00, v23  }
0x162: {  	v20 =	vadd.f32 v57, v20  }
0x163: {  	v61 =	vld [tilespmem:s16+$0x10600];
	(erf) = vpow2.f32 v23  }
0x164: {  	v20 =	vadd.f32 v59, v20  }
0x165: {  	v62 =	vld [tilespmem:s16+$0x10800]  }
0x166: {  	v20 =	vadd.f32 v60, v20;
	_ =	sdelay $0x1  }
0x167: {  	v20 =	vadd.f32 v61, v20;
	_ =	sdelay $0x1  }
0x168: {  	v20 =	vadd.f32 v62, v20;
	_ =	sdelay $0x1  }
0x169: {  	v19 =	vsub.f32 v20, v19;
	v63 =	vpop (erf)  }
0x16a: {  	p0 =	sne.s32 s2, $0x7C0;
	v20 =	vmin.f32 v63, $1.000000000e+00  }
.Ltmp0:
0x16b: {  	v20 =	vmul.f32 v20, v19;
	(pc) =	sbr.rel @p0 .LBB2_2-.Ltmp0, $3  }
0x16c: {  	_ = 	snop  }
0x16d: {  	v19 =	vmul.f32 v20, v19;
	_ =	sdelay $0x1  }
0x16e: {  	s2 =	sadd.s32 $0x40, s2;
	s30 =	sadd.s32 $0x400, s30;
	s31 =	sadd.s32 $0x400, s31;
	v18 =	vadd.f32 v19, v18  }
0x16f: {  	s29 =	sadd.s32 $0x1, s29  }
0x170: {  	p0 =	sne.s32 s29, s11  }
.Ltmp1:
0x171: {  	[tilespmem:$0x10A00] =	vst v18;
	(pc) =	sbr.rel @p0 .LBB2_1-.Ltmp1, $4  }
0x172: {  	[hbm4b:s10+s1] =	stream.linear.scatter [tilespmem:s26], [sflag:$0x5], $0x10, $0x38;
	[tilespmem:$0x10B20] =	vst v63  }
0x173: {  	_ =	swait.ge [sflag:s12], $0x10  }
0x174: {  	[sflag:s12] =	ssyncset.done $0x0  }
0x175: {  	[sflag:s12] =	ssyncadd.s32 $0xFFFFFFF0  }
0x176: {  	_ =	sfence.sel $0x180000  }
0x177: {  	[bflag:$0x0] =	sbarrier.arrive $0xFFFF  }
0x178: {  	_ =	strace $0x90000047  }
0x179: {  	s0 =	stileid.u32;
	[bflag:$0x2] =	sbarrier.arrive $0xFFFF  }
0x17a: {  	p0 =	sne.s32 s0, $0x0;
	s0 =	rddreg [dreg:$0x4]  }
0x17b: {  	s0 =	sadd.s32 @!p0 $0x100000, s0  }
0x17c: {  	[sflag:s0] =	ssyncadd.tile.s32 @!p0 $0x1;
	_ =	shalt  }
.Lfunc_end2:
_tile_overlayer_lowered:
.L_overlay_start_2:
0x17d: {  	(tag) =	ssettag $0x2  }
0x17e: {  	s0 =	rddreg [dreg:$0x0];
	s2 =	stileid.u32  }
0x17f: {  	s1 =	rddreg [dreg:$0x1];
	p0 =	sne.s32 s2, $0x0  }
0x180: {  	s3 =	rddreg [dreg:$0x2];
	[bflag:$0x3] =	sbarrier.arrive $0xFFFF;
	s2 =	simm.s32 @!p0 $0x1C05  }
0x181: {  	[timem:s3], [sflag:s2] =	dma.local @!p0 [hbm:s0], s1  }
0x182: {  	s0 =	simm.s32 @!p0 $0x5  }
0x183: {  	_ =	swait.ge @!p0 [sflag:s0], s1  }
0x184: {  	s1 =	ssub.s32 @!p0 $0x0, s1;
	[sflag:s0] =	ssyncset.done @!p0 $0x0  }
0x185: {  	[sflag:s0] =	ssyncadd.s32 @!p0 s1  }
0x186: {  	[bflag:$0x3] =	sbarrier.arrive $0xFFFF  }
0x187: {  	_ =	shalt  }

</sc_bundles>
